<compile_context>
chip_gen: v7x
topology: tpu7x:2x2x1
jax: 0.10.2.dev20260603
libtpu: 0.0.44.dev20260713+nightly
codegen_flags: <defaults>
</compile_context>

<pallas_src>
import jax
import jax.numpy as jnp
from jax.experimental import pallas as pl
from jax.experimental.pallas import tpu as pltpu

_PRE_NMS_THRESH = 0.05
_PRE_NMS_TOP_N = 1000
_NMS_THRESH = 0.6
_FPN_POST_NMS_TOP_N = 100
_STRIDE = 8.0


def _score_body(cls_ref, cent_ref, out_ref):
    x = cls_ref[...]
    cent = cent_ref[...]
    sig = 1.0 / (1.0 + jnp.exp(-x))
    sigc = 1.0 / (1.0 + jnp.exp(-cent))
    C = x.shape[1]
    cidx = jax.lax.broadcasted_iota(jnp.int32, x.shape, 1)
    cand = (sig > _PRE_NMS_THRESH) & (cidx < C - 1)
    out_ref[...] = jnp.where(cand, sig * sigc, -1.0)


def _masked_scores(box_cls, centerness):
    N, C, H, W = box_cls.shape
    HW = H * W
    cls3 = box_cls.reshape(N, C, HW)
    cent3 = centerness.reshape(N, 1, HW)
    blk = 2048
    grid = (N, HW // blk)
    return pl.pallas_call(
        _score_body,
        grid=grid,
        in_specs=[
            pl.BlockSpec((1, C, blk), lambda n, j: (n, 0, j)),
            pl.BlockSpec((1, 1, blk), lambda n, j: (n, 0, j)),
        ],
        out_specs=pl.BlockSpec((1, C, blk), lambda n, j: (n, 0, j)),
        out_shape=jax.ShapeDtypeStruct((N, C, HW), jnp.float32),
    )(cls3, cent3)


def _nms_keep(boxes, scores, valid):
    M = boxes.shape[0]
    order = jnp.argsort(-scores)
    b = boxes[order]
    v = valid[order]
    area = (b[:, 2] - b[:, 0]) * (b[:, 3] - b[:, 1])
    lt = jnp.maximum(b[:, None, :2], b[None, :, :2])
    rb = jnp.minimum(b[:, None, 2:], b[None, :, 2:])
    wh = jnp.clip(rb - lt, 0.0, None)
    inter = wh[..., 0] * wh[..., 1]
    iou = inter / jnp.clip(area[:, None] + area[None, :] - inter, 1e-9, None)
    idx = jnp.arange(M)
    def body(i, keep):
        sup = (iou[i] > _NMS_THRESH) & (idx > i)
        return jnp.where(keep[i], keep & (~sup), keep)
    keep_sorted = jax.lax.fori_loop(0, M, body, v)
    return jnp.zeros((M,), dtype=jnp.bool_).at[order].set(keep_sorted)


def kernel(locations, box_cls, box_regression, centerness, image_sizes):
    N, C, H, W = box_cls.shape
    HW = H * W
    masked_chw = _masked_scores(box_cls, centerness)
    masked = jnp.transpose(masked_chw, (0, 2, 1))
    reg = jnp.transpose(box_regression, (0, 2, 3, 1)).reshape(N, HW, 4) * _STRIDE
    flat = masked.reshape(N, HW * C)
    topv, topi = jax.lax.top_k(flat, _PRE_NMS_TOP_N)
    loc_idx = topi // C
    labels = topi % C + 1
    valid = topv > 0.0
    per_loc = locations[loc_idx]
    per_reg = jnp.take_along_axis(reg, loc_idx[..., None], axis=1)
    x1 = per_loc[..., 0] - per_reg[..., 0]
    y1 = per_loc[..., 1] - per_reg[..., 1]
    x2 = per_loc[..., 0] + per_reg[..., 2]
    y2 = per_loc[..., 1] + per_reg[..., 3]
    h_img = image_sizes[:, 0].astype(jnp.float32)[:, None]
    w_img = image_sizes[:, 1].astype(jnp.float32)[:, None]
    x1 = jnp.clip(x1, 0.0, w_img - 1.0)
    y1 = jnp.clip(y1, 0.0, h_img - 1.0)
    x2 = jnp.clip(x2, 0.0, w_img - 1.0)
    y2 = jnp.clip(y2, 0.0, h_img - 1.0)
    boxes = jnp.stack([x1, y1, x2, y2], axis=-1)
    scores = jnp.where(valid, jnp.sqrt(jnp.where(valid, topv, 1.0)), 0.0)
    max_coord = jnp.max(boxes)
    offs = labels.astype(jnp.float32) * (max_coord + 1.0)
    nms_boxes = boxes + offs[..., None]
    keep = jax.vmap(_nms_keep)(nms_boxes, scores, valid)
    kept_scores = jnp.where(keep, scores, -1.0)
    fv, fi = jax.lax.top_k(kept_scores, _FPN_POST_NMS_TOP_N)
    out_valid = fv > 0.0
    out_boxes = jnp.take_along_axis(boxes, fi[..., None], axis=1)
    out_scores = jnp.take_along_axis(scores, fi, axis=1)
    out_labels = jnp.take_along_axis(labels, fi, axis=1)
    out_boxes = jnp.where(out_valid[..., None], out_boxes, 0.0)
    out_scores = jnp.where(out_valid, out_scores, 0.0)
    out_labels = jnp.where(out_valid, out_labels, 0)
    return out_boxes, out_scores, out_labels, out_valid

# --- scband reference (transcript-rebuilt; emitter-appended) ---
"""Pipeline reference for scband-fcospost-processor-30408368456270 (READ-ONLY COPY).

The authoritative reference and input builder live on the scoring server;
editing this copy changes nothing except your own understanding.
"""

import jax, jax.numpy as jnp
import numpy as np

PRE_NMS_THRESH = 0.05
PRE_NMS_TOP_N = 1000
NMS_THRESH = 0.6
FPN_POST_NMS_TOP_N = 100
MIN_SIZE = 0.0
STRIDE = 8.0


def setup_inputs(seed: int = 0):
    key = jax.random.key(seed)
    k1, k2, k3, k4 = jax.random.split(key, 4)
    N, C, H, W = 2, 80, 128, 128
    ys, xs = jnp.meshgrid(jnp.arange(H), jnp.arange(W), indexing='ij')
    locations = jnp.stack([xs.reshape(-1) * STRIDE + STRIDE / 2,
                           ys.reshape(-1) * STRIDE + STRIDE / 2], axis=1).astype(jnp.float32)
    box_cls = jax.random.normal(k1, (N, C, H, W), jnp.float32)
    box_regression = jax.random.uniform(k2, (N, 4, H, W), jnp.float32) * 4.0
    centerness = jax.random.normal(k3, (N, 1, H, W), jnp.float32)
    image_sizes = jax.random.randint(k4, (N, 2), 900, 1025).astype(jnp.int32)
    return {"locations": locations, "box_cls": box_cls,
            "box_regression": box_regression, "centerness": centerness,
            "image_sizes": image_sizes}


def _nms_keep(boxes, scores, valid):
    # greedy class-aware NMS on fixed-size arrays; returns keep mask in original order
    M = boxes.shape[0]
    order = jnp.argsort(-scores)
    b = boxes[order]
    v = valid[order]
    area = (b[:, 2] - b[:, 0]) * (b[:, 3] - b[:, 1])
    lt = jnp.maximum(b[:, None, :2], b[None, :, :2])
    rb = jnp.minimum(b[:, None, 2:], b[None, :, 2:])
    wh = jnp.clip(rb - lt, 0.0, None)
    inter = wh[..., 0] * wh[..., 1]
    iou = inter / jnp.clip(area[:, None] + area[None, :] - inter, 1e-9, None)
    idx = jnp.arange(M)
    def body(i, keep):
        sup = (iou[i] > NMS_THRESH) & (idx > i)
        return jnp.where(keep[i], keep & (~sup), keep)
    keep_sorted = jax.lax.fori_loop(0, M, body, v)
    return jnp.zeros((M,), dtype=jnp.bool_).at[order].set(keep_sorted)


def _forward(locations, box_cls, box_regression, centerness, image_sizes):
    N, C, H, W = box_cls.shape
    HW = H * W
    cls = jax.nn.sigmoid(jnp.transpose(box_cls, (0, 2, 3, 1)).reshape(N, HW, C))
    cls = cls.at[:, :, -1].set(0.0)  # box_cls[:, -1] = 0.0
    reg = jnp.transpose(box_regression, (0, 2, 3, 1)).reshape(N, HW, 4) * STRIDE  # norm_reg_targets
    cent = jax.nn.sigmoid(jnp.transpose(centerness, (0, 2, 3, 1)).reshape(N, HW))
    cand = cls > PRE_NMS_THRESH
    sc = cls * cent[:, :, None]
    masked = jnp.where(cand, sc, -1.0)
    flat = masked.reshape(N, HW * C)
    topv, topi = jax.lax.top_k(flat, PRE_NMS_TOP_N)
    topi = jax.lax.stop_gradient(topi)
    loc_idx = topi // C
    labels = topi % C + 1
    valid = topv > 0.0
    per_loc = locations[loc_idx]                                  # [N,k,2]
    per_reg = jnp.take_along_axis(reg, loc_idx[..., None], axis=1)  # [N,k,4]
    x1 = per_loc[..., 0] - per_reg[..., 0]
    y1 = per_loc[..., 1] - per_reg[..., 1]
    x2 = per_loc[..., 0] + per_reg[..., 2]
    y2 = per_loc[..., 1] + per_reg[..., 3]
    h_img = image_sizes[:, 0].astype(jnp.float32)[:, None]
    w_img = image_sizes[:, 1].astype(jnp.float32)[:, None]
    # clip_to_image (TO_REMOVE = 1)
    x1 = jnp.clip(x1, 0.0, w_img - 1.0)
    y1 = jnp.clip(y1, 0.0, h_img - 1.0)
    x2 = jnp.clip(x2, 0.0, w_img - 1.0)
    y2 = jnp.clip(y2, 0.0, h_img - 1.0)
    boxes = jnp.stack([x1, y1, x2, y2], axis=-1)                  # [N,k,4]
    # remove_small_boxes
    valid = valid & ((x2 - x1 + 1.0) >= MIN_SIZE) & ((y2 - y1 + 1.0) >= MIN_SIZE)
    scores = jnp.where(valid, jnp.sqrt(jnp.where(valid, topv, 1.0)), 0.0)
    # multi-class NMS: offset boxes by label so different classes never overlap
    max_coord = jax.lax.stop_gradient(jnp.max(boxes))
    offs = labels.astype(jnp.float32) * (max_coord + 1.0)
    nms_boxes = boxes + offs[..., None]
    keep = jax.vmap(_nms_keep)(jax.lax.stop_gradient(nms_boxes),
                               jax.lax.stop_gradient(scores), valid)
    kept_scores = jnp.where(keep, scores, -1.0)
    fv, fi = jax.lax.top_k(kept_scores, FPN_POST_NMS_TOP_N)
    fi = jax.lax.stop_gradient(fi)
    out_valid = fv > 0.0
    out_boxes = jnp.take_along_axis(boxes, fi[..., None], axis=1)
    out_scores = jnp.take_along_axis(scores, fi, axis=1)
    out_labels = jnp.take_along_axis(labels, fi, axis=1)
    out_boxes = jnp.where(out_valid[..., None], out_boxes, 0.0)
    out_scores = jnp.where(out_valid, out_scores, 0.0)
    out_labels = jnp.where(out_valid, out_labels, 0)
    return out_boxes, out_scores, out_labels, out_valid


def reference(locations, box_cls, box_regression, centerness, image_sizes):
    return _forward(locations, box_cls, box_regression, centerness, image_sizes)

if __name__ == "__main__":
    import jax
    _d = setup_inputs()
    print(jax.jit(kernel)(*tuple(_d.values())))

</pallas_src>

<mosaic_0001>
module attributes {stable_mosaic.version = 14 : i64} {
  func.func @_score_body(%arg0: i32, %arg1: i32, %arg2: memref<1x80x2048xf32, #tpu.memory_space<vmem>>, %arg3: memref<1x1x2048xf32, #tpu.memory_space<vmem>>, %arg4: memref<1x80x2048xf32, #tpu.memory_space<vmem>>) attributes {dimension_semantics = [#tpu.dimension_semantics<arbitrary>, #tpu.dimension_semantics<arbitrary>], iteration_bounds = array<i64: 2, 8>, scalar_prefetch = 0 : i64, scratch_operands = 0 : i64, tpu.core_type = #tpu.core_type<tc>, window_params = [{transform_indices = @transform_0, window_bounds = array<i64: 1, 80, 2048>}, {transform_indices = @transform_1, window_bounds = array<i64: 1, 1, 2048>}, {transform_indices = @transform_2, window_bounds = array<i64: 1, 80, 2048>}]} {
    %get3A = arith.constant 0 : index
    %get3A_0 = arith.constant 0 : index
    %get3A_1 = arith.constant 0 : index
    %get3A_2 = vector.load %arg2[%get3A, %get3A_0, %get3A_1] : memref<1x80x2048xf32, #tpu.memory_space<vmem>>, vector<1x80x2048xf32>
    %get3A_3 = arith.constant 0 : index
    %get3A_4 = arith.constant 0 : index
    %get3A_5 = arith.constant 0 : index
    %get3A_6 = vector.load %arg3[%get3A_3, %get3A_4, %get3A_5] : memref<1x1x2048xf32, #tpu.memory_space<vmem>>, vector<1x1x2048xf32>
    %neg3A = arith.constant 0.000000e+00 : f32
    %neg3A_7 = vector.broadcast %neg3A : f32 to vector<1x80x2048xf32>
    %neg3A_8 = arith.subf %neg3A_7, %get3A_2 : vector<1x80x2048xf32>
    %exp3A = math.exp %neg3A_8 : vector<1x80x2048xf32>
    %add3A = arith.constant 1.000000e+00 : f32
    %add3A_9 = vector.broadcast %add3A : f32 to vector<1x80x2048xf32>
    %add3A_10 = arith.addf %add3A_9, %exp3A : vector<1x80x2048xf32>
    %div3A = arith.constant 1.000000e+00 : f32
    %div3A_11 = vector.broadcast %div3A : f32 to vector<1x80x2048xf32>
    %div3A_12 = arith.divf %div3A_11, %add3A_10 : vector<1x80x2048xf32>
    %neg3A_13 = arith.constant 0.000000e+00 : f32
    %neg3A_14 = vector.broadcast %neg3A_13 : f32 to vector<1x1x2048xf32>
    %neg3A_15 = arith.subf %neg3A_14, %get3A_6 : vector<1x1x2048xf32>
    %exp3A_16 = math.exp %neg3A_15 : vector<1x1x2048xf32>
    %add3A_17 = arith.constant 1.000000e+00 : f32
    %add3A_18 = vector.broadcast %add3A_17 : f32 to vector<1x1x2048xf32>
    %add3A_19 = arith.addf %add3A_18, %exp3A_16 : vector<1x1x2048xf32>
    %div3A_20 = arith.constant 1.000000e+00 : f32
    %div3A_21 = vector.broadcast %div3A_20 : f32 to vector<1x1x2048xf32>
    %div3A_22 = arith.divf %div3A_21, %add3A_19 : vector<1x1x2048xf32>
    %iota3A = tpu.iota {dimensions = array<i32: 1>} : vector<1x80x2048xi32>
    %gt3A = arith.constant 5.000000e-02 : f32
    %gt3A_23 = vector.broadcast %gt3A : f32 to vector<1x80x2048xf32>
    %gt3A_24 = arith.cmpf ogt, %div3A_12, %gt3A_23 : vector<1x80x2048xf32>
    %lt3A = arith.constant 79 : i32
    %lt3A_25 = vector.broadcast %lt3A : i32 to vector<1x80x2048xi32>
    %lt3A_26 = arith.cmpi slt, %iota3A, %lt3A_25 : vector<1x80x2048xi32>
    %and3A = arith.andi %gt3A_24, %lt3A_26 : vector<1x80x2048xi1>
    %mul3A = vector.broadcast %div3A_22 : vector<1x1x2048xf32> to vector<1x80x2048xf32>
    %mul3A_27 = arith.mulf %div3A_12, %mul3A : vector<1x80x2048xf32>
    %jit3A = arith.constant -1.000000e+00 : f32
    %broadcast_in_dim3A = vector.broadcast %jit3A : f32 to vector<1x80x2048xf32>
    %select_n3A = arith.select %and3A, %mul3A_27, %broadcast_in_dim3A : vector<1x80x2048xi1>, vector<1x80x2048xf32>
    %swap3A = arith.constant 0 : index
    %swap3A_28 = arith.constant 0 : index
    %swap3A_29 = arith.constant 0 : index
    %swap3A_30 = vector.load %arg4[%swap3A, %swap3A_28, %swap3A_29] : memref<1x80x2048xf32, #tpu.memory_space<vmem>>, vector<1x80x2048xf32>
    tpu.vector_store %arg4[%swap3A, %swap3A_28, %swap3A_29], %select_n3A {strides = array<i32>} : memref<1x80x2048xf32, #tpu.memory_space<vmem>>, vector<1x80x2048xf32>,
    return
  }
  func.func @transform_0(%arg0: i32, %arg1: i32) -> (i32, i32, i32) {
    %c0_i32 = arith.constant 0 : i32
    %c0_i32_0 = arith.constant 0 : i32
    return %arg0, %c0_i32, %arg1 : i32, i32, i32
  }
  func.func @transform_1(%arg0: i32, %arg1: i32) -> (i32, i32, i32) {
    %c0_i32 = arith.constant 0 : i32
    %c0_i32_0 = arith.constant 0 : i32
    return %arg0, %c0_i32, %arg1 : i32, i32, i32
  }
  func.func @transform_2(%arg0: i32, %arg1: i32) -> (i32, i32, i32) {
    %c0_i32 = arith.constant 0 : i32
    %c0_i32_0 = arith.constant 0 : i32
    return %arg0, %c0_i32, %arg1 : i32, i32, i32
  }
}

</mosaic_0001>

<sc_bundles>
// kernel: gather_offload_async_start.1
scs
__scs_entry_jumppad:
0x0: {  	(pc) =	sbr.rel $0x88, $3  }
0x1: {  	(tag) =	ssettag $0x0;
	lr =	simm.s32 $0x1  }
0x2: {  	[smem:$0x3F9C] =	sst lr;
	_ =	strace $0xD0000000  }
0x3: {  	_ = 	snop  }
0x4: {  	_ = 	snop  }
0x5: {  	_ = 	snop  }
0x6: {  	_ = 	snop  }
0x7: {  	_ = 	snop  }
__scs_overlays_trampoline_lowered:
0x8: {  	[smem:$0x3FAB] =	sst s0  }
0x9: {  	[smem:$0x3FAC] =	sst s1  }
0xa: {  	[smem:$0x3FAD] =	sst s2  }
0xb: {  	[smem:$0x3FAE] =	sst s3  }
0xc: {  	[smem:$0x3FAF] =	sst s4  }
0xd: {  	[smem:$0x3FB0] =	sst s5  }
0xe: {  	[smem:$0x3FB1] =	sst s6  }
0xf: {  	[smem:$0x3FB2] =	sst s7  }
0x10: {  	[smem:$0x3FB3] =	sst s8  }
0x11: {  	[smem:$0x3FB4] =	sst s9;
	s0 =	simm.s32 @!p0 $0x0  }
0x12: {  	s1 =	sld [smem:$0x3F9A];
	s0 =	simm.s32 @p0 $0x1  }
0x13: {  	[smem:$0x3FB5] =	sst s0;
	s0 =	simm.s32 @!p1 $0x0  }
0x14: {  	s2 =	sld [smem:$0x3F99];
	s0 =	simm.s32 @p1 $0x1  }
0x15: {  	[smem:$0x3FB6] =	sst s0;
	s0 =	simm.s32 @!p2 $0x0  }
0x16: {  	s3 =	sld [smem:$0x3FDB];
	s0 =	simm.s32 @p2 $0x1  }
0x17: {  	s4 =	simm.s32 $0x1BF5;
	[smem:$0x3FB8] =	sst s0  }
0x18: {  	s0 =	sld [smem:$0x3F9B];
	_ =	swait.ge [sflag:s4], $0x0  }
0x19: {  	s7 =	sld [smem:$0x3F9C]  }
0x1a: {  	s8 =	sadd.s32 $0xFFFFE003, lr  }
0x1b: {  	s9 =	sadd.s32 $0xFFFFFEF7, lr;
	s5 =	simm.s32 $0xFFFFFFFF;
	p2 =	slt.u32 s8, $0xFFFFF086  }
0x1c: {  	p1 =	slt.u32 s9, $0xF7A;
	s5 =	simm.s32 @!p2 $0x0  }
0x1d: {  	s5 =	simm.s32 @p1 $0x1;
	p0 =	seq.s32 s7, s2  }
0x1e: {  	s7 =	smul.u32 @!p0 $0xF7A, s2;
	p2 =	seq.s32 @!p0 s5, $0x0  }
0x1f: {  	s9 =	smul.u32 $0xF7A, s1;
	s8 =	simm.s32 @!p0 $0x1BF5;
	p2 =	por !p2, p0  }
0x20: {  	[sflag:s8] =	ssyncset.s32 @!p0 $0xFFFFF086;
	s6 =	sadd.s32 @!p0 s3, s7;
	s7 =	simm.s32 @!p0 $0x108  }
0x21: {  	s3 =	sadd.s32 s3, s9;
	s6 =	sadd.s32 @!p0 $0x88, s6;
	s7 =	simm.s32 @p2 $0x1082  }
0x22: {  	[simem:s7], [sflag:s8] =	dma.local @!p0 [hbm:s6], $0xF7A  }
0x23: {  	s9 =	sor.u32 $0xD0000000, s2;
	s6 =	simm.s32 $0x108;
	_ =	swait.ge @!p0 [sflag:s8], $0x0  }
0x24: {  	s3 =	sadd.s32 $0x88, s3;
	s6 =	simm.s32 @!p1 $0x1082;
	[sflag:s4] =	ssyncset.s32 $0xFFFFF086  }
0x25: {  	[simem:s6], [sflag:s4] =	dma.local [hbm:s3], $0xF7A  }
0x26: {  	[smem:$0x3F9C] =	sst s1;
	(tag) =	ssettag s2;
	_ =	strace s9  }
0x27: {  	s1 =	sld [smem:$0x3FAC]  }
0x28: {  	s2 =	sld [smem:$0x3FAD]  }
0x29: {  	s4 =	sld [smem:$0x3FAF]  }
0x2a: {  	p0 =	seq.s32 s5, $0x0;
	s5 =	sld [smem:$0x3FB0]  }
0x2b: {  	s6 =	sld [smem:$0x3FB1]  }
0x2c: {  	s7 =	sld [smem:$0x3FB2]  }
0x2d: {  	s3 =	simm.s32 $0x108;
	s8 =	sld [smem:$0x3FB3]  }
0x2e: {  	s3 =	simm.s32 @!p0 $0x1082;
	s9 =	sld [smem:$0x3FB4]  }
0x2f: {  	lr =	sadd.s32 s0, s3;
	s0 =	sld [smem:$0x3FAB]  }
0x30: {  	s3 =	sld [smem:$0x3FAE]  }
0x31: {  	[smem:$0x3FB7] =	sst s10  }
0x32: {  	s10 =	sld [smem:$0x3FB5];
	_ =	sdelay $0x3  }
0x33: {  	p0 =	seq.s32 s10, $0x1;
	s10 =	sld [smem:$0x3FB7];
	_ =	sdelay $0x3  }
0x34: {  	[smem:$0x3FB7] =	sst s10  }
0x35: {  	s10 =	sld [smem:$0x3FB6];
	_ =	sdelay $0x3  }
0x36: {  	p1 =	seq.s32 s10, $0x1;
	s10 =	sld [smem:$0x3FB7];
	_ =	sdelay $0x3  }
0x37: {  	[smem:$0x3FB7] =	sst s10  }
0x38: {  	s10 =	sld [smem:$0x3FB8]  }
0x39: {  	_ = 	snop;
	(pc) =	sbr.ind lr, $3  }
0x3a: {  	_ = 	snop  }
0x3b: {  	_ = 	snop  }
0x3c: {  	p2 =	seq.s32 s10, $0x1;
	s10 =	sld [smem:$0x3FB7]  }
0x3d: {  	_ =	shalt  }
0x3e: {  	_ =	shalt  }
0x3f: {  	_ =	shalt  }
0x40: {  	_ =	shalt  }
0x41: {  	_ =	shalt  }
0x42: {  	_ =	shalt  }
0x43: {  	_ =	shalt  }
0x44: {  	_ =	shalt  }
0x45: {  	_ =	shalt  }
0x46: {  	_ =	shalt  }
0x47: {  	_ =	shalt  }
0x48: {  	_ =	shalt  }
0x49: {  	_ =	shalt  }
0x4a: {  	_ =	shalt  }
0x4b: {  	_ =	shalt  }
0x4c: {  	_ =	shalt  }
0x4d: {  	_ =	shalt  }
0x4e: {  	_ =	shalt  }
0x4f: {  	_ =	shalt  }
0x50: {  	_ =	shalt  }
0x51: {  	_ =	shalt  }
0x52: {  	_ =	shalt  }
0x53: {  	_ =	shalt  }
0x54: {  	_ =	shalt  }
0x55: {  	_ =	shalt  }
0x56: {  	_ =	shalt  }
0x57: {  	_ =	shalt  }
0x58: {  	_ =	shalt  }
0x59: {  	_ =	shalt  }
0x5a: {  	_ =	shalt  }
0x5b: {  	_ =	shalt  }
0x5c: {  	_ =	shalt  }
0x5d: {  	_ =	shalt  }
0x5e: {  	_ =	shalt  }
0x5f: {  	_ =	shalt  }
0x60: {  	_ =	shalt  }
0x61: {  	_ =	shalt  }
0x62: {  	_ =	shalt  }
0x63: {  	_ =	shalt  }
0x64: {  	_ =	shalt  }
0x65: {  	_ =	shalt  }
0x66: {  	_ =	shalt  }
0x67: {  	_ =	shalt  }
0x68: {  	_ =	shalt  }
0x69: {  	_ =	shalt  }
0x6a: {  	_ =	shalt  }
0x6b: {  	_ =	shalt  }
0x6c: {  	_ =	shalt  }
0x6d: {  	_ =	shalt  }
0x6e: {  	_ =	shalt  }
0x6f: {  	_ =	shalt  }
0x70: {  	_ =	shalt  }
0x71: {  	_ =	shalt  }
0x72: {  	_ =	shalt  }
0x73: {  	_ =	shalt  }
0x74: {  	_ =	shalt  }
0x75: {  	_ =	shalt  }
0x76: {  	_ =	shalt  }
0x77: {  	_ =	shalt  }
0x78: {  	_ =	shalt  }
0x79: {  	_ =	shalt  }
0x7a: {  	_ =	shalt  }
0x7b: {  	_ =	shalt  }
0x7c: {  	_ =	shalt  }
0x7d: {  	_ =	shalt  }
0x7e: {  	_ =	shalt  }
0x7f: {  	_ =	shalt  }
0x80: {  	_ =	shalt  }
0x81: {  	_ =	shalt  }
0x82: {  	_ =	shalt  }
0x83: {  	_ =	shalt  }
0x84: {  	_ =	shalt  }
0x85: {  	_ =	shalt  }
0x86: {  	_ =	shalt  }
0x87: {  	_ =	shalt  }
.Lfunc_end0:
.L_simem_size_0:
called_computation.1_lowered:
.L_overlay_start_0:
0x88: {  	s0 =	sld [smem:$0x3FD9]  }
0x89: {  	s1 =	sld [smem:$0x3FFE];
	_ =	sdelay $0x3  }
0x8a: {  	s0 =	sadd.s32 s1, s0  }
0x8b: {  	[smem:$0x3FC3] =	sst s0  }
0x8c: {  	_ = 	snop  }
0x8d: {  	s0 =	sld [smem:$0x3FD0];
	_ =	sdelay $0x2  }
0x8e: {  	s13 =	simm.s32 $0xB;
	s2 =	simm.s32 $0x10  }
0x8f: {  	[smem:s2], [sflag:s13] =	dma.local [hbm:s0], $0x1  }
0x90: {  	_ =	swait.eq [sflag:s13], $0x1  }
0x91: {  	[sflag:s13] =	ssyncset.done $0x0  }
0x92: {  	[sflag:s13] =	ssyncadd.s32 $0xFFFFFFFF  }
0x93: {  	s14 =	sld [smem:$0x10];
	(tm) =	ssettm $0x1  }
0x94: {  	s15 =	sld [smem:$0x3FFB];
	_ =	sdelay $0x3  }
0x95: {  	_ =	strace s15  }
0x96: {  	s1 =	sld [smem:$0x3FFC];
	_ =	sdelay $0x3  }
0x97: {  	_ =	strace s1  }
0x98: {  	s1 =	sld [smem:$0x3FFD];
	_ =	sdelay $0x3  }
0x99: {  	_ =	strace s1  }
0x9a: {  	_ =	strace $0x8FFFFFFF  }
0x9b: {  	s16 =	sld [smem:$0x3FDB];
	_ =	sdelay $0x1  }
0x9c: {  	s17 =	simm.s32 $_scs_section_size  }
0x9d: {  	s3 =	simm.s32 $_size__tile_overlayer_lowered;
	s4 =	simm.s32 $_tile_overlayer_lowered  }
0x9e: {  	s20 =	simm.s32 $0x1BFF;
	s19 =	sshll.u32 s4, $0x1;
	s1 =	sadd.s32 s17, s16  }
0x9f: {  	s5 =	simm.s32 $0x0;
	s18 =	sshll.u32 s3, $0x1;
	s3 =	sadd.s32 s19, s1  }
0xa0: {  	[timem:s5], [sflag:s20] =	dma.local [hbm:s3], s18  }
0xa1: {  	_ =	swait.ge [sflag:s20], s18  }
0xa2: {  	s2 =	ssub.s32 $0x0, s18;
	[sflag:s20] =	ssyncset.done $0x0  }
0xa3: {  	[sflag:s20] =	ssyncadd.s32 s2;
	_ =	sdelay $0x1  }
0xa4: {  	s21 =	simm.s32 $0x1B8B  }
0xa5: {  	_ =	swait.ge [sflag:s21], $0x1  }
0xa6: {  	[sflag:s21] =	ssyncset.done $0x0  }
0xa7: {  	s23 =	simm.s32 $0x1B8E;
	s22 =	sld [smem:$0x3FFE];
	[sflag:s21] =	ssyncadd.s32 $0xFFFFFFFF  }
0xa8: {  	s24 =	simm.s32 $execute0_lowered;
	[smem:$0x3FD2] =	sst s23  }
0xa9: {  	s3 =	sshll.u32 s24, $0x1;
	_ =	strace $0x8000004C;
	[dreg:$0x1] =	wrdreg $0xFFFFFFFF  }
0xaa: {  	s25 =	simm.s32 $_size_execute0_lowered;
	s1 =	sadd.s32 s1, s3;
	[dreg:$0x0] =	wrdreg $0x0  }
0xab: {  	s3 =	sshll.u32 s25, $0x1;
	[dreg:$0x2] =	wrdreg s1  }
0xac: {  	[dreg:$0x3] =	wrdreg s3  }
0xad: {  	[dreg:$0x4] =	wrdreg $0xC0  }
0xae: {  	_ =	task [dreg:s5], $0x5FFFF  }
0xaf: {  	[dreg:$0x1] =	wrdreg $0xFFFFFFFF  }
0xb0: {  	[dreg:$0x0] =	wrdreg $0x60  }
0xb1: {  	[dreg:$0x2] =	wrdreg s14  }
0xb2: {  	[dreg:$0x3] =	wrdreg s22  }
0xb3: {  	[dreg:$0x4] =	wrdreg $0x9  }
0xb4: {  	_ =	task.clear_ibuf [dreg:s5], $0x5FFFF;
	_ =	strace $0x9000004C  }
0xb5: {  	s26 =	simm.s32 $0x9;
	_ =	strace $0x8000004E  }
0xb6: {  	_ =	swait.ge [sflag:s26], $0x1  }
0xb7: {  	[sflag:s26] =	ssyncadd.s32 $0xFFFFFFFF  }
0xb8: {  	_ =	strace $0x9000004E  }
0xb9: {  	_ =	sfence  }
0xba: {  	s28 =	sld [smem:$0x0];
	_ =	sdelay $0x1  }
0xbb: {  	s29 =	srdreg.scid  }
0xbc: {  	s30 =	sshll.u32 s29, $0xD;
	s31 =	sshrl.u32 s29, $0x2  }
0xbd: {  	s2 =	sand.u32 $0x4000, s30;
	s1 =	sand.u32 $0x1, s29;
	s0 =	sadd.s32 s31, s28  }
0xbe: {  	s1 =	sor.u32 s2, s1;
	s0 =	sshll.u32 s0, $0x11  }
0xbf: {  	s0 =	sor.u32 s0, s1  }
0xc0: {  	s0 =	sadd.s32 $0x8F2B, s0  }
0xc1: {  	[sflag:s0] =	ssyncadd.remote.s32 $0x1  }
0xc2: {  	_ =	sfence.sel $0xFFFF  }
0xc3: {  	[dreg:$0x0] =	wrdreg $0xFFFFFFFF;
	(pc) =	sbr.abs _section_cstart, $3  }
0xc4: {  	[dreg:$0x1] =	wrdreg $0xFFFFFFFF  }
0xc5: {  	_ =	task.clear_ibuf [dreg:s5], $0x2FFFF;
	_ =	strace $0x9FFFFFFF  }
0xc6: {  	(tm) =	ssettm $0x7FFFFFFF  }
0xc7: {  	_ =	shalt  }
tec
execute0_lowered:
.L_overlay_start_1:
0x0: {  	(tag) =	ssettag $0x1  }
0x1: {  	s3 =	rddreg [dreg:$0x0]  }
0x2: {  	s0 =	stileid.u32;
	s4 =	simm.s32 $0x200;
	s7 =	rddreg [dreg:$0x1]  }
0x3: {  	s10 =	simm.s32 $0x1;
	s1 =	smin.u32 s0, $0x4;
	p0 =	slt.u32 s0, $0x4  }
0x4: {  	s6 =	simm.s32 $0x2;
	s2 =	sshll.u32 s1, $0x9;
	s4 =	simm.s32 @!p0 $0x0  }
0x5: {  	s11 =	simm.s32 $0x4;
	s12 =	simm.s32 $0xFFFFF800;
	s1 =	sadd.s32 s4, s2  }
0x6: {  	s13 =	simm.s32 $0xFFFFFE00;
	s14 =	simm.s32 $0xFFFFFFFF;
	s4 =	smin.u32 s1, $0x7D0  }
0x7: {  	s18 =	simm.s32 $0x0;
	s15 =	simm.s32 $0x0;
	s9 =	ssub.s32 s4, s2  }
0x8: {  	s17 =	simm.s32 $0x0;
	s5 =	sadd.s32 $0x8200, s7;
	p0 =	sgt.s32 s9, $0x0  }
0x9: {  	s1 =	rddreg [dreg:$0x2];
	_ =	strace $0x8000004D;
	s9 =	simm.s32 @!p0 $0x0  }
.Ltmp0:
0xa: {  	[sflag:s10] =	ssyncpa.u1 $0x0;
	s8 =	sand.u32 $0x1D0, s9;
	(pc) =	sbr.rel .LBB2_1-.Ltmp0, $4  }
0xb: {  	s7 =	sadd.s32 $0x8400, s7;
	[sflag:s6] =	ssyncpa.u1 $0x0;
	p0 =	sne.s32 s8, $0x0  }
0xc: {  	s9 =	sshrl.u32 s9, $0x9;
	s8 =	simm.s32 $0x3;
	s10 =	simm.s32 @!p0 $0x0  }
0xd: {  	s16 =	smov.u32 s2;
	[sflag:s8] =	ssyncpa.u1 $0x0;
	s9 =	sadd.s32 s10, s9  }
0xe: {  	v0 =	vlaneseq.u32;
	vm0 =	vmmov $0xffff;
	[sflag:s11] =	ssyncpa.u1 $0x0;
	s11 =	simm.s32 $0x0;
	s10 =	sadd.s32 $0x2, s9  }
.LBB2_7:
0xf: {  	p0 =	slt.u32 s17, $0x3  }
0x10: {  	s18 =	simm.s32 @!p0 $0x4  }
0x11: {  	_ =	swait.ge @!p0 [sflag:s18], $0x80  }
0x12: {  	s19 =	sadd.s32 $0x200, s16;
	[sflag:s18] =	ssyncset.done @!p0 $0x0  }
0x13: {  	s20 =	smov.u32 s2;
	[sflag:s18] =	ssyncadd.s32 @!p0 $0xFFFFFF80;
	p0 =	slt.s32 s19, s4  }
0x14: {  	s20 =	smov.u32 @p0 s19;
	p0 =	sne.s32 s17, s10  }
.Ltmp1:
0x15: {  	_ = 	snop;
	(pc) =	sbr.rel @!p0 .LBB2_8-.Ltmp1, $4  }
0x16: {  	_ = 	snop  }
0x17: {  	s31 =	sadd.s32 $0x1, s17;
	s12 =	sadd.s32 $0x800, s12  }
0x18: {  	s13 =	sadd.s32 $0x200, s13;
	s14 =	sadd.s32 $0x1, s14;
	s18 =	smov.u32 s15  }
0x19: {  	s15 =	smov.u32 s16;
	s17 =	smov.u32 s31;
	s16 =	smov.u32 s20  }
.LBB2_1:
0x1a: {  	p0 =	sge.u32 s17, s9  }
0x1b: {  	s19 =	smulhi.u32 @!p0 $0xAAAAAAAB, s17;
	_ =	sdelay $0x1  }
0x1c: {  	s19 =	sshrl.u32 @!p0 s19, $0x1  }
0x1d: {  	s19 =	smul.u32 @!p0 $0x3, s19;
	_ =	sdelay $0x1  }
0x1e: {  	s31 =	sadd.s32 $0xFFFFFFFF, s17;
	s20 =	sshrl.u32 @!p0 s16, $0x3;
	s19 =	ssub.s32 @!p0 s17, s19  }
0x1f: {  	s21 =	sand.u32 @!p0 $0x7, s16;
	s20 =	sadd.s32 @!p0 s5, s20;
	s19 =	sshll.u32 @!p0 s19, $0x9  }
0x20: {  	[tilespmem:s19], [sflag:$0x2] =	stream.linear.gather @!p0 [hbm4b:s20+s21], $0x200, $0x38;
	[tilespmem:$0xB00] =	vst v63  }
0x21: {  	p0 =	sge.u32 s31, s9  }
.Ltmp2:
0x22: {  	_ = 	snop;
	(pc) =	sbr.rel @p0 .LBB2_5-.Ltmp2, $1  }
0x23: {  	_ =	sdelay $0x3  }
0x24: {  	s19 =	smulhi.u32 $0xAAAAAAAB, s14;
	_ =	sdelay $0x1  }
0x25: {  	s19 =	sshrl.u32 s19, $0x1  }
0x26: {  	s19 =	smul.u32 $0xFFFFE800, s19  }
0x27: {  	_ =	swait.ge [sflag:s6], $0x200;
	s20 =	ssub.s32 $0x7D0, s15  }
0x28: {  	[sflag:s6] =	ssyncset.done $0x0;
	p0 =	slt.s32 s20, $0x200;
	s19 =	sshra.s32 s19, $0x2  }
0x29: {  	[sflag:s6] =	ssyncadd.s32 $0xFFFFFE00;
	s20 =	simm.s32 @!p0 $0x200;
	s21 =	sadd.s32 s19, s13  }
0x2a: {  	(ifvalue) =	ssetifvalue $0x7FFFFFFF;
	p0 =	sgt.s32 s20, $0x0;
	s19 =	sadd.s32 $0xFFFFFFF0, s20;
	v1 =	vld.msk [tilespmem:s21+$0x0 ss:$0x1], $0xffff  }
0x2b: {  	s20 =	simm.s32 @!p0 $0x0;
	p0 =	sgt.s32 s19, $0x0  }
0x2c: {  	s22 =	sadd.s32 $0xFFFFFFF0, s19;
	s20 =	smin.u32 s20, $0x10;
	s19 =	simm.s32 @!p0 $0x0  }
0x2d: {  	v2 =	vmov s20;
	s19 =	smin.u32 s19, $0x10  }
0x2e: {  	s24 =	sadd.s32 $0x10, s21;
	vm1 =	vgt.u32 v2, v0;
	v2 =	vmov s19  }
0x2f: {  	v3 =	vld.msk [tilespmem:s24+$0x0 ss:$0x1], $0xffff;
	vm1 =	vmmov vm1;
	vm2 =	vgt.u32 v2, v0;
	v2 =	vshll.u32 v1, $0x1  }
0x30: {  	p0 =	sgt.s32 s22, $0x0;
	s19 =	smov.u32 s22;
	v4 =	vand.u32 $0x1, v1;
	vm3 =	veq.s32 v1, $0x80000000;
	v1 =	vand.u32 $0xFFC, v2  }
0x31: {  	s19 =	simm.s32 @!p0 $0x0;
	vm1 =	vmmov vm1;
	v2 =	vsel vm3, $0xFFFFFFFF, v4;
	v1 =	vsel vm3, $0xFFFFFFFC, v1  }
0x32: {  	s19 =	smin.u32 s19, $0x10;
	vm2 =	vmmov vm2;
	v4 =	vand.u32 $0xFFFFF000, v2;
	v5 =	vand.u32 $0xFFFFFE00, v1  }
0x33: {  	s25 =	sadd.s32 $0xFFFFFFF0, s22;
	v6 =	vmov s19;
	v1 =	vand.u32 $0x1FC, v1;
	v4 =	vadd.s32 v4, v5  }
0x34: {  	s23 =	smov.u32 s25;
	p0 =	sgt.s32 s25, $0x0;
	vm4 =	veq.s32 v3, $0x80000000;
	v2 =	vand.u32 $0x3, v2;
	v1 =	vor.u32 v1, v4  }
0x35: {  	s23 =	simm.s32 @!p0 $0x0;
	s19 =	sadd.s32 $0x10, s24;
	vm3 =	vgt.u32 v6, v0;
	v5 =	vshll.u32 v3, $0x1;
	v1 =	vshrl.u32 v1, $0x2  }
0x36: {  	s31 =	smin.u32 s23, $0x10;
	s20 =	sadd.s32 $0x10, s19;
	v4 =	vand.u32 $0x1, v3;
	v3 =	vand.u32 $0xFFC, v5;
	v1 =	vnsel vm1, $0x7FFFFFFF, v1  }
0x37: {  	s29 =	sshrl.u32 s12, $0x2;
	v8 =	vmov s31;
	[tilespmem:s21+$0x0] =	vst v2;
	v2 =	vld.msk [tilespmem:s20+$0x0 ss:$0x1], $0xffff;
	v4 =	vsel vm4, $0xFFFFFFFF, v4;
	v5 =	vsel vm4, $0xFFFFFFFC, v3  }
0x38: {  	s30 =	sand.u32 $0x200, s29;
	vm3 =	vmmov vm3;
	v3 =	vld.msk [tilespmem:s19+$0x0 ss:$0x1], $0xffff;
	v6 =	vand.u32 $0xFFFFF000, v4;
	v7 =	vand.u32 $0xFFFFFE00, v5  }
0x39: {  	s22 =	sadd.s32 $0x600, s30;
	s25 =	sadd.s32 $0xFFFFFFF0, s25;
	s23 =	simm.s32 $0x30;
	v4 =	vand.u32 $0x3, v4;
	v5 =	vand.u32 $0x1FC, v5;
	v6 =	vadd.s32 v6, v7  }
0x3a: {  	s21 =	sadd.s32 $0x10, s22;
	vm1 =	vmmov vm2;
	vm2 =	vgt.u32 v8, v0;
	[tilespmem:s24+$0x0] =	vst v4;
	s24 =	sadd.s32 $0x10, s20;
	(ifvalue) =	ssetifvalue $0x7FFFFFFF;
	v4 =	vor.u32 v5, v6  }
.LBB2_3:
0x3b: {  	[tilespmem:s22], [sflag:$0x3] =	stream.indirect_vreg.gather [hbm4b:s3+s11], $0x1, v1, vm0, $0x4038;
	[tilespmem:$0xB00] =	vst v63  }
0x3c: {  	p0 =	sgt.s32 s25, $0x0;
	s23 =	sadd.s32 $0x10, s23;
	s26 =	smov.u32 s25  }
0x3d: {  	v5 =	vand.u32 $0x1, v3;
	v6 =	vshll.u32 v3, $0x1;
	v4 =	vshrl.u32 v4, $0x2;
	v7 =	vmovc v2;
	v2 =	vld.msk [tilespmem:s24+$0x0 ss:$0x1], $0xffff;
	s26 =	simm.s32 @!p0 $0x0;
	p0 =	slt.u32 s23, $0x1F0  }
.Ltmp3:
0x3e: {  	vm4 =	veq.s32 v3, $0x80000000;
	v6 =	vand.u32 $0xFFC, v6;
	v1 =	vnsel vm1, $0x7FFFFFFF, v4;
	v3 =	vmovc v7;
	(pc) =	sbr.rel @p0 .LBB2_3-.Ltmp3, $4  }
0x3f: {  	s22 =	smov.u32 s21;
	v4 =	vsel vm4, $0xFFFFFFFF, v5;
	vm1 =	vmmov vm3;
	v5 =	vsel vm4, $0xFFFFFFFC, v6  }
0x40: {  	s28 =	smov.u32 s19;
	s19 =	smov.u32 s20;
	s26 =	smin.u32 s26, $0x10;
	v6 =	vand.u32 $0xFFFFF000, v4;
	v7 =	vand.u32 $0xFFFFFE00, v5;
	v5 =	vand.u32 $0x1FC, v5  }
0x41: {  	s21 =	sadd.s32 $0x10, s21;
	s20 =	smov.u32 s24;
	v9 =	vand.u32 $0x3, v4;
	v8 =	vmov s26;
	v4 =	vadd.s32 v6, v7  }
0x42: {  	s24 =	sadd.s32 $0x10, s24;
	s25 =	sadd.s32 $0xFFFFFFF0, s25;
	vm3 =	vmmov vm2;
	vm2 =	vgt.u32 v8, v0;
	v4 =	vor.u32 v5, v4;
	[tilespmem:s28+$0x0] =	vst v9;
	(ifvalue) =	ssetifvalue $0x7FFFFFFF  }
0x43: {  	v5 =	vshll.u32 v3, $0x1  }
0x44: {  	v6 =	vand.u32 $0x1, v3;
	vm4 =	veq.s32 v3, $0x80000000;
	v4 =	vshrl.u32 v4, $0x2  }
0x45: {  	v60 =	vshll.u32 v2, $0x1;
	v8 =	vand.u32 $0x1, v2;
	vm15 =	veq.s32 v2, $0x80000000  }
0x46: {  	v3 =	vand.u32 $0xFFC, v5;
	v59 =	vsel vm4, $0xFFFFFFFF, v6;
	v2 =	vand.u32 $0xFFC, v60  }
0x47: {  	v61 =	vsel vm15, $0xFFFFFFFF, v8;
	v4 =	vnsel vm1, $0x7FFFFFFF, v4;
	v3 =	vsel vm4, $0xFFFFFFFC, v3  }
0x48: {  	vm1 =	vmmov vm3;
	v6 =	vand.u32 $0xFFFFF000, v59;
	v7 =	vand.u32 $0xFFFFFE00, v3  }
0x49: {  	v2 =	vsel vm15, $0xFFFFFFFC, v2;
	v3 =	vand.u32 $0x1FC, v3;
	v6 =	vadd.s32 v6, v7  }
0x4a: {  	v62 =	vand.u32 $0xFFFFF000, v61;
	v63 =	vand.u32 $0xFFFFFE00, v2;
	v3 =	vor.u32 v3, v6  }
0x4b: {  	v2 =	vand.u32 $0x1FC, v2;
	v6 =	vadd.s32 v62, v63;
	v3 =	vshrl.u32 v3, $0x2  }
0x4c: {  	vm2 =	vmmov vm2;
	v2 =	vor.u32 v2, v6;
	v3 =	vnsel vm1, $0x7FFFFFFF, v3  }
0x4d: {  	[tilespmem:s22], [sflag:$0x3] =	stream.indirect_vreg.gather [hbm4b:s3+s11], $0x1, v1, vm0, $0x4038;
	v5 =	vand.u32 $0x3, v59;
	vm1 =	vmmov vm2;
	v1 =	vshrl.u32 v2, $0x2;
	[tilespmem:$0xB00] =	vst v63  }
0x4e: {  	[tilespmem:s19+$0x0] =	vst v5;
	(ifvalue) =	ssetifvalue $0x7FFFFFFF;
	v1 =	vnsel vm1, $0x7FFFFFFF, v1  }
0x4f: {  	[tilespmem:s21], [sflag:$0x3] =	stream.indirect_vreg.gather [hbm4b:s3+s11], $0x1, v4, vm0, $0x4038;
	v2 =	vand.u32 $0x3, v61;
	[tilespmem:$0xB00] =	vst v63  }
0x50: {  	s31 =	sadd.s32 $0x10, s21;
	[tilespmem:s20+$0x0] =	vst v2;
	(ifvalue) =	ssetifvalue $0x7FFFFFFF  }
0x51: {  	[tilespmem:s31], [sflag:$0x3] =	stream.indirect_vreg.gather [hbm4b:s3+s11], $0x1, v3, vm0, $0x4038;
	[tilespmem:$0xB00] =	vst v63  }
0x52: {  	s19 =	sadd.s32 $0x10, s31;
	(ifvalue) =	ssetifvalue $0x7FFFFFFF  }
0x53: {  	[tilespmem:s19], [sflag:$0x3] =	stream.indirect_vreg.gather [hbm4b:s3+s11], $0x1, v1, vm0, $0x4038;
	[tilespmem:$0xB00] =	vst v63  }
.LBB2_5:
0x54: {  	p0 =	slt.u32 s17, $0x2  }
0x55: {  	p1 =	sge.u32 @!p0 s17, s10  }
0x56: {  	p0 =	por p0, p1  }
.Ltmp4:
0x57: {  	_ = 	snop;
	(pc) =	sbr.rel @p0 .LBB2_7-.Ltmp4, $1  }
0x58: {  	_ =	sdelay $0x3  }
0x59: {  	s19 =	sadd.s32 $0xFFFFFFFE, s17  }
0x5a: {  	s20 =	smulhi.u32 $0xAAAAAAAB, s19  }
0x5b: {  	_ =	swait.ge [sflag:s8], $0x200  }
0x5c: {  	s21 =	sand.u32 $0x1, s17;
	[sflag:s8] =	ssyncset.done $0x0;
	s20 =	sshrl.u32 s20, $0x1  }
0x5d: {  	s28 =	sshll.u32 s21, $0x9;
	[sflag:s8] =	ssyncadd.s32 $0xFFFFFE00;
	s20 =	smul.u32 $0x3, s20  }
0x5e: {  	v1 =	vld [tilespmem:s28+$0x600]  }
0x5f: {  	v3 =	vld [tilespmem:s28+$0x680];
	s20 =	ssub.s32 s19, s20  }
0x60: {  	v6 =	vld [tilespmem:s28+$0x700];
	s20 =	sshll.u32 s20, $0x9  }
0x61: {  	v2 =	vld [tilespmem:s20+$0x0]  }
0x62: {  	v4 =	vld [tilespmem:s20+$0x80]  }
0x63: {  	v5 =	vld [tilespmem:s20+$0x100]  }
0x64: {  	v7 =	vld [tilespmem:s20+$0x180];
	_ =	sdelay $0x1  }
0x65: {  	v8 =	vld [tilespmem:s28+$0x780]  }
0x66: {  	v2 =	vshll.u32 v2, $0x3;
	v4 =	vshll.u32 v4, $0x3  }
0x67: {  	v1 =	vshrl.u32 v1, v2;
	v2 =	vshrl.u32 v3, v4;
	v3 =	vshll.u32 v5, $0x3  }
0x68: {  	v21 =	vshll.u32 v7, $0x3;
	v2 =	vshll.u32 v2, $0x8;
	v3 =	vshrl.u32 v6, v3  }
0x69: {  	v1 =	vand.u32 $0xFF, v1;
	v2 =	vand.u32 $0xFF00, v2;
	v3 =	vshll.u32 v3, $0x10  }
0x6a: {  	v1 =	vor.u32 v1, v2;
	v2 =	vand.u32 $0xFF0000, v3;
	v3 =	vshrl.u32 v8, v21  }
0x6b: {  	v1 =	vor.u32 v2, v1;
	v2 =	vshll.u32 v3, $0x18  }
0x6c: {  	s21 =	sshll.u32 s21, $0x7;
	v1 =	vor.u32 v2, v1  }
0x6d: {  	[tilespmem:s21+$0xA00] =	vst v1  }
0x6e: {  	v1 =	vld [tilespmem:s28+$0x610]  }
0x6f: {  	v2 =	vld [tilespmem:s20+$0x10]  }
0x70: {  	v3 =	vld [tilespmem:s28+$0x690]  }
0x71: {  	v22 =	vld [tilespmem:s20+$0x90]  }
0x72: {  	v23 =	vld [tilespmem:s20+$0x110]  }
0x73: {  	v24 =	vld [tilespmem:s28+$0x710]  }
0x74: {  	v25 =	vld [tilespmem:s20+$0x190];
	_ =	sdelay $0x1  }
0x75: {  	v26 =	vld [tilespmem:s28+$0x790]  }
0x76: {  	v2 =	vshll.u32 v2, $0x3;
	v4 =	vshll.u32 v22, $0x3  }
0x77: {  	v1 =	vshrl.u32 v1, v2;
	v2 =	vshrl.u32 v3, v4;
	v3 =	vshll.u32 v23, $0x3  }
0x78: {  	v27 =	vshll.u32 v25, $0x3;
	v2 =	vshll.u32 v2, $0x8;
	v3 =	vshrl.u32 v24, v3  }
0x79: {  	v1 =	vand.u32 $0xFF, v1;
	v2 =	vand.u32 $0xFF00, v2;
	v3 =	vshll.u32 v3, $0x10  }
0x7a: {  	v1 =	vor.u32 v1, v2;
	v2 =	vand.u32 $0xFF0000, v3;
	v3 =	vshrl.u32 v26, v27  }
0x7b: {  	v1 =	vor.u32 v2, v1;
	v2 =	vshll.u32 v3, $0x18  }
0x7c: {  	v1 =	vor.u32 v2, v1  }
0x7d: {  	[tilespmem:s21+$0xA10] =	vst v1  }
0x7e: {  	v1 =	vld [tilespmem:s28+$0x620]  }
0x7f: {  	v2 =	vld [tilespmem:s20+$0x20]  }
0x80: {  	v3 =	vld [tilespmem:s28+$0x6A0]  }
0x81: {  	v28 =	vld [tilespmem:s20+$0xA0]  }
0x82: {  	v29 =	vld [tilespmem:s20+$0x120]  }
0x83: {  	v30 =	vld [tilespmem:s28+$0x720]  }
0x84: {  	v31 =	vld [tilespmem:s20+$0x1A0];
	_ =	sdelay $0x1  }
0x85: {  	v32 =	vld [tilespmem:s28+$0x7A0]  }
0x86: {  	v2 =	vshll.u32 v2, $0x3;
	v4 =	vshll.u32 v28, $0x3  }
0x87: {  	v1 =	vshrl.u32 v1, v2;
	v2 =	vshrl.u32 v3, v4;
	v3 =	vshll.u32 v29, $0x3  }
0x88: {  	v33 =	vshll.u32 v31, $0x3;
	v2 =	vshll.u32 v2, $0x8;
	v3 =	vshrl.u32 v30, v3  }
0x89: {  	v1 =	vand.u32 $0xFF, v1;
	v2 =	vand.u32 $0xFF00, v2;
	v3 =	vshll.u32 v3, $0x10  }
0x8a: {  	v1 =	vor.u32 v1, v2;
	v2 =	vand.u32 $0xFF0000, v3;
	v3 =	vshrl.u32 v32, v33  }
0x8b: {  	v1 =	vor.u32 v2, v1;
	v2 =	vshll.u32 v3, $0x18  }
0x8c: {  	v1 =	vor.u32 v2, v1  }
0x8d: {  	[tilespmem:s21+$0xA20] =	vst v1  }
0x8e: {  	v1 =	vld [tilespmem:s28+$0x630]  }
0x8f: {  	v2 =	vld [tilespmem:s20+$0x30]  }
0x90: {  	v3 =	vld [tilespmem:s28+$0x6B0]  }
0x91: {  	v34 =	vld [tilespmem:s20+$0xB0]  }
0x92: {  	v35 =	vld [tilespmem:s20+$0x130]  }
0x93: {  	v36 =	vld [tilespmem:s28+$0x730]  }
0x94: {  	v37 =	vld [tilespmem:s20+$0x1B0];
	_ =	sdelay $0x1  }
0x95: {  	v38 =	vld [tilespmem:s28+$0x7B0]  }
0x96: {  	v2 =	vshll.u32 v2, $0x3;
	v4 =	vshll.u32 v34, $0x3  }
0x97: {  	v1 =	vshrl.u32 v1, v2;
	v2 =	vshrl.u32 v3, v4;
	v3 =	vshll.u32 v35, $0x3  }
0x98: {  	v39 =	vshll.u32 v37, $0x3;
	v2 =	vshll.u32 v2, $0x8;
	v3 =	vshrl.u32 v36, v3  }
0x99: {  	v1 =	vand.u32 $0xFF, v1;
	v2 =	vand.u32 $0xFF00, v2;
	v3 =	vshll.u32 v3, $0x10  }
0x9a: {  	v1 =	vor.u32 v1, v2;
	v2 =	vand.u32 $0xFF0000, v3;
	v3 =	vshrl.u32 v38, v39  }
0x9b: {  	v1 =	vor.u32 v2, v1;
	v2 =	vshll.u32 v3, $0x18  }
0x9c: {  	v1 =	vor.u32 v2, v1  }
0x9d: {  	[tilespmem:s21+$0xA30] =	vst v1  }
0x9e: {  	v1 =	vld [tilespmem:s28+$0x640]  }
0x9f: {  	v2 =	vld [tilespmem:s20+$0x40]  }
0xa0: {  	v3 =	vld [tilespmem:s28+$0x6C0]  }
0xa1: {  	v40 =	vld [tilespmem:s20+$0xC0]  }
0xa2: {  	v41 =	vld [tilespmem:s20+$0x140]  }
0xa3: {  	v42 =	vld [tilespmem:s28+$0x740]  }
0xa4: {  	v43 =	vld [tilespmem:s20+$0x1C0];
	_ =	sdelay $0x1  }
0xa5: {  	v44 =	vld [tilespmem:s28+$0x7C0]  }
0xa6: {  	v2 =	vshll.u32 v2, $0x3;
	v4 =	vshll.u32 v40, $0x3  }
0xa7: {  	v1 =	vshrl.u32 v1, v2;
	v2 =	vshrl.u32 v3, v4;
	v3 =	vshll.u32 v41, $0x3  }
0xa8: {  	v45 =	vshll.u32 v43, $0x3;
	v2 =	vshll.u32 v2, $0x8;
	v3 =	vshrl.u32 v42, v3  }
0xa9: {  	v1 =	vand.u32 $0xFF, v1;
	v2 =	vand.u32 $0xFF00, v2;
	v3 =	vshll.u32 v3, $0x10  }
0xaa: {  	v1 =	vor.u32 v1, v2;
	v2 =	vand.u32 $0xFF0000, v3;
	v3 =	vshrl.u32 v44, v45  }
0xab: {  	v1 =	vor.u32 v2, v1;
	v2 =	vshll.u32 v3, $0x18  }
0xac: {  	v1 =	vor.u32 v2, v1  }
0xad: {  	[tilespmem:s21+$0xA40] =	vst v1  }
0xae: {  	v1 =	vld [tilespmem:s28+$0x650]  }
0xaf: {  	v2 =	vld [tilespmem:s20+$0x50]  }
0xb0: {  	v3 =	vld [tilespmem:s28+$0x6D0]  }
0xb1: {  	v46 =	vld [tilespmem:s20+$0xD0]  }
0xb2: {  	v47 =	vld [tilespmem:s20+$0x150]  }
0xb3: {  	v48 =	vld [tilespmem:s28+$0x750]  }
0xb4: {  	v49 =	vld [tilespmem:s20+$0x1D0];
	_ =	sdelay $0x1  }
0xb5: {  	v50 =	vld [tilespmem:s28+$0x7D0]  }
0xb6: {  	v2 =	vshll.u32 v2, $0x3;
	v4 =	vshll.u32 v46, $0x3  }
0xb7: {  	v1 =	vshrl.u32 v1, v2;
	v2 =	vshrl.u32 v3, v4;
	v3 =	vshll.u32 v47, $0x3  }
0xb8: {  	v51 =	vshll.u32 v49, $0x3;
	v2 =	vshll.u32 v2, $0x8;
	v3 =	vshrl.u32 v48, v3  }
0xb9: {  	v1 =	vand.u32 $0xFF, v1;
	v2 =	vand.u32 $0xFF00, v2;
	v3 =	vshll.u32 v3, $0x10  }
0xba: {  	v1 =	vor.u32 v1, v2;
	v2 =	vand.u32 $0xFF0000, v3;
	v3 =	vshrl.u32 v50, v51  }
0xbb: {  	v1 =	vor.u32 v2, v1;
	v2 =	vshll.u32 v3, $0x18  }
0xbc: {  	v1 =	vor.u32 v2, v1  }
0xbd: {  	[tilespmem:s21+$0xA50] =	vst v1  }
0xbe: {  	v1 =	vld [tilespmem:s28+$0x660]  }
0xbf: {  	v2 =	vld [tilespmem:s20+$0x60]  }
0xc0: {  	v3 =	vld [tilespmem:s28+$0x6E0]  }
0xc1: {  	v52 =	vld [tilespmem:s20+$0xE0]  }
0xc2: {  	v53 =	vld [tilespmem:s20+$0x160]  }
0xc3: {  	v54 =	vld [tilespmem:s28+$0x760]  }
0xc4: {  	v55 =	vld [tilespmem:s20+$0x1E0];
	_ =	sdelay $0x1  }
0xc5: {  	v56 =	vld [tilespmem:s28+$0x7E0]  }
0xc6: {  	v2 =	vshll.u32 v2, $0x3;
	v4 =	vshll.u32 v52, $0x3  }
0xc7: {  	v1 =	vshrl.u32 v1, v2;
	v2 =	vshrl.u32 v3, v4;
	v3 =	vshll.u32 v53, $0x3  }
0xc8: {  	v57 =	vshll.u32 v55, $0x3;
	v2 =	vshll.u32 v2, $0x8;
	v3 =	vshrl.u32 v54, v3  }
0xc9: {  	v1 =	vand.u32 $0xFF, v1;
	v2 =	vand.u32 $0xFF00, v2;
	v3 =	vshll.u32 v3, $0x10  }
0xca: {  	v1 =	vor.u32 v1, v2;
	v2 =	vand.u32 $0xFF0000, v3;
	v3 =	vshrl.u32 v56, v57  }
0xcb: {  	v1 =	vor.u32 v2, v1;
	v2 =	vshll.u32 v3, $0x18  }
0xcc: {  	v1 =	vor.u32 v2, v1  }
0xcd: {  	[tilespmem:s21+$0xA60] =	vst v1  }
0xce: {  	v1 =	vld [tilespmem:s28+$0x670]  }
0xcf: {  	v2 =	vld [tilespmem:s20+$0x70]  }
0xd0: {  	v3 =	vld [tilespmem:s28+$0x6F0]  }
0xd1: {  	v58 =	vld [tilespmem:s20+$0xF0]  }
0xd2: {  	v59 =	vld [tilespmem:s20+$0x170]  }
0xd3: {  	v60 =	vld [tilespmem:s28+$0x770]  }
0xd4: {  	v61 =	vld [tilespmem:s20+$0x1F0];
	_ =	sdelay $0x1  }
0xd5: {  	v62 =	vld [tilespmem:s28+$0x7F0]  }
0xd6: {  	v2 =	vshll.u32 v2, $0x3;
	v4 =	vshll.u32 v58, $0x3  }
0xd7: {  	v1 =	vshrl.u32 v1, v2;
	v2 =	vshrl.u32 v3, v4;
	v3 =	vshll.u32 v59, $0x3  }
0xd8: {  	v63 =	vshll.u32 v61, $0x3;
	v3 =	vshrl.u32 v60, v3;
	v2 =	vshll.u32 v2, $0x8  }
0xd9: {  	v1 =	vand.u32 $0xFF, v1;
	v2 =	vand.u32 $0xFF00, v2;
	v3 =	vshll.u32 v3, $0x10  }
.Ltmp5:
0xda: {  	v1 =	vor.u32 v1, v2;
	v2 =	vshrl.u32 v62, v63;
	v3 =	vand.u32 $0xFF0000, v3;
	(pc) =	sbr.rel .LBB2_7-.Ltmp5, $4  }
0xdb: {  	v1 =	vor.u32 v3, v1;
	v2 =	vshll.u32 v2, $0x18  }
0xdc: {  	s29 =	sshrl.u32 s18, $0x2;
	s30 =	sshrl.u32 s18, $0x5;
	v1 =	vor.u32 v2, v1  }
0xdd: {  	s18 =	sadd.s32 s30, s7;
	s31 =	sor.u32 $0xA00, s21;
	s19 =	sand.u32 $0x7, s29;
	[tilespmem:s21+$0xA70] =	vst v1  }
0xde: {  	[hbm4b:s18+s19] =	stream.linear.scatter [tilespmem:s31], [sflag:$0x4], $0x80, $0x38;
	[tilespmem:$0xB00] =	vst v63  }
.LBB2_8:
0xdf: {  	_ =	sfence.sel $0x180000  }
0xe0: {  	s2 =	simm.s32 $0x2;
	[bflag:$0x0] =	sbarrier.arrive $0xFFFF  }
0xe1: {  	s29 =	simm.s32 $0x3;
	[sflag:s2] =	ssyncpa.u1 $0x1  }
0xe2: {  	s30 =	simm.s32 $0x4;
	[sflag:s29] =	ssyncpa.u1 $0x1  }
0xe3: {  	s31 =	simm.s32 $0x1;
	[sflag:s30] =	ssyncpa.u1 $0x1  }
0xe4: {  	[sflag:s31] =	ssyncpa.u1 $0x1  }
0xe5: {  	p0 =	sne.s32 s0, $0x0;
	_ =	strace $0x9000004D  }
0xe6: {  	s0 =	sadd.s32 @!p0 $0x100000, s1;
	[bflag:$0x2] =	sbarrier.arrive $0xFFFF  }
0xe7: {  	[sflag:s0] =	ssyncadd.tile.s32 @!p0 $0x1;
	_ =	shalt  }
.Lfunc_end2:
_tile_overlayer_lowered:
.L_overlay_start_2:
0xe8: {  	(tag) =	ssettag $0x2  }
0xe9: {  	s0 =	rddreg [dreg:$0x0];
	s2 =	stileid.u32  }
0xea: {  	s1 =	rddreg [dreg:$0x1];
	p0 =	sne.s32 s2, $0x0  }
0xeb: {  	s3 =	rddreg [dreg:$0x2];
	[bflag:$0x3] =	sbarrier.arrive $0xFFFF;
	s2 =	simm.s32 @!p0 $0x1C01  }
0xec: {  	[timem:s3], [sflag:s2] =	dma.local @!p0 [hbm:s0], s1  }
0xed: {  	s0 =	simm.s32 @!p0 $0x1  }
0xee: {  	_ =	swait.ge @!p0 [sflag:s0], s1  }
0xef: {  	s1 =	ssub.s32 @!p0 $0x0, s1;
	[sflag:s0] =	ssyncset.done @!p0 $0x0  }
0xf0: {  	[sflag:s0] =	ssyncadd.s32 @!p0 s1  }
0xf1: {  	[bflag:$0x3] =	sbarrier.arrive $0xFFFF  }
0xf2: {  	_ =	shalt  }

// kernel: gather_offload_async_start.2
scs
__scs_entry_jumppad:
0x0: {  	(pc) =	sbr.rel $0x88, $3  }
0x1: {  	(tag) =	ssettag $0x0;
	lr =	simm.s32 $0x1  }
0x2: {  	[smem:$0x3F9C] =	sst lr;
	_ =	strace $0xD0000000  }
0x3: {  	_ = 	snop  }
0x4: {  	_ = 	snop  }
0x5: {  	_ = 	snop  }
0x6: {  	_ = 	snop  }
0x7: {  	_ = 	snop  }
__scs_overlays_trampoline_lowered:
0x8: {  	[smem:$0x3FAB] =	sst s0  }
0x9: {  	[smem:$0x3FAC] =	sst s1  }
0xa: {  	[smem:$0x3FAD] =	sst s2  }
0xb: {  	[smem:$0x3FAE] =	sst s3  }
0xc: {  	[smem:$0x3FAF] =	sst s4  }
0xd: {  	[smem:$0x3FB0] =	sst s5  }
0xe: {  	[smem:$0x3FB1] =	sst s6  }
0xf: {  	[smem:$0x3FB2] =	sst s7  }
0x10: {  	[smem:$0x3FB3] =	sst s8  }
0x11: {  	[smem:$0x3FB4] =	sst s9;
	s0 =	simm.s32 @!p0 $0x0  }
0x12: {  	s1 =	sld [smem:$0x3F9A];
	s0 =	simm.s32 @p0 $0x1  }
0x13: {  	[smem:$0x3FB5] =	sst s0;
	s0 =	simm.s32 @!p1 $0x0  }
0x14: {  	s2 =	sld [smem:$0x3F99];
	s0 =	simm.s32 @p1 $0x1  }
0x15: {  	[smem:$0x3FB6] =	sst s0;
	s0 =	simm.s32 @!p2 $0x0  }
0x16: {  	s3 =	sld [smem:$0x3FDB];
	s0 =	simm.s32 @p2 $0x1  }
0x17: {  	s4 =	simm.s32 $0x1BF5;
	[smem:$0x3FB8] =	sst s0  }
0x18: {  	s0 =	sld [smem:$0x3F9B];
	_ =	swait.ge [sflag:s4], $0x0  }
0x19: {  	s7 =	sld [smem:$0x3F9C]  }
0x1a: {  	s8 =	sadd.s32 $0xFFFFE003, lr  }
0x1b: {  	s9 =	sadd.s32 $0xFFFFFEF7, lr;
	s5 =	simm.s32 $0xFFFFFFFF;
	p2 =	slt.u32 s8, $0xFFFFF086  }
0x1c: {  	p1 =	slt.u32 s9, $0xF7A;
	s5 =	simm.s32 @!p2 $0x0  }
0x1d: {  	s5 =	simm.s32 @p1 $0x1;
	p0 =	seq.s32 s7, s2  }
0x1e: {  	s7 =	smul.u32 @!p0 $0xF7A, s2;
	p2 =	seq.s32 @!p0 s5, $0x0  }
0x1f: {  	s9 =	smul.u32 $0xF7A, s1;
	s8 =	simm.s32 @!p0 $0x1BF5;
	p2 =	por !p2, p0  }
0x20: {  	[sflag:s8] =	ssyncset.s32 @!p0 $0xFFFFF086;
	s6 =	sadd.s32 @!p0 s3, s7;
	s7 =	simm.s32 @!p0 $0x108  }
0x21: {  	s3 =	sadd.s32 s3, s9;
	s6 =	sadd.s32 @!p0 $0x88, s6;
	s7 =	simm.s32 @p2 $0x1082  }
0x22: {  	[simem:s7], [sflag:s8] =	dma.local @!p0 [hbm:s6], $0xF7A  }
0x23: {  	s9 =	sor.u32 $0xD0000000, s2;
	s6 =	simm.s32 $0x108;
	_ =	swait.ge @!p0 [sflag:s8], $0x0  }
0x24: {  	s3 =	sadd.s32 $0x88, s3;
	s6 =	simm.s32 @!p1 $0x1082;
	[sflag:s4] =	ssyncset.s32 $0xFFFFF086  }
0x25: {  	[simem:s6], [sflag:s4] =	dma.local [hbm:s3], $0xF7A  }
0x26: {  	[smem:$0x3F9C] =	sst s1;
	(tag) =	ssettag s2;
	_ =	strace s9  }
0x27: {  	s1 =	sld [smem:$0x3FAC]  }
0x28: {  	s2 =	sld [smem:$0x3FAD]  }
0x29: {  	s4 =	sld [smem:$0x3FAF]  }
0x2a: {  	p0 =	seq.s32 s5, $0x0;
	s5 =	sld [smem:$0x3FB0]  }
0x2b: {  	s6 =	sld [smem:$0x3FB1]  }
0x2c: {  	s7 =	sld [smem:$0x3FB2]  }
0x2d: {  	s3 =	simm.s32 $0x108;
	s8 =	sld [smem:$0x3FB3]  }
0x2e: {  	s3 =	simm.s32 @!p0 $0x1082;
	s9 =	sld [smem:$0x3FB4]  }
0x2f: {  	lr =	sadd.s32 s0, s3;
	s0 =	sld [smem:$0x3FAB]  }
0x30: {  	s3 =	sld [smem:$0x3FAE]  }
0x31: {  	[smem:$0x3FB7] =	sst s10  }
0x32: {  	s10 =	sld [smem:$0x3FB5];
	_ =	sdelay $0x3  }
0x33: {  	p0 =	seq.s32 s10, $0x1;
	s10 =	sld [smem:$0x3FB7];
	_ =	sdelay $0x3  }
0x34: {  	[smem:$0x3FB7] =	sst s10  }
0x35: {  	s10 =	sld [smem:$0x3FB6];
	_ =	sdelay $0x3  }
0x36: {  	p1 =	seq.s32 s10, $0x1;
	s10 =	sld [smem:$0x3FB7];
	_ =	sdelay $0x3  }
0x37: {  	[smem:$0x3FB7] =	sst s10  }
0x38: {  	s10 =	sld [smem:$0x3FB8]  }
0x39: {  	_ = 	snop;
	(pc) =	sbr.ind lr, $3  }
0x3a: {  	_ = 	snop  }
0x3b: {  	_ = 	snop  }
0x3c: {  	p2 =	seq.s32 s10, $0x1;
	s10 =	sld [smem:$0x3FB7]  }
0x3d: {  	_ =	shalt  }
0x3e: {  	_ =	shalt  }
0x3f: {  	_ =	shalt  }
0x40: {  	_ =	shalt  }
0x41: {  	_ =	shalt  }
0x42: {  	_ =	shalt  }
0x43: {  	_ =	shalt  }
0x44: {  	_ =	shalt  }
0x45: {  	_ =	shalt  }
0x46: {  	_ =	shalt  }
0x47: {  	_ =	shalt  }
0x48: {  	_ =	shalt  }
0x49: {  	_ =	shalt  }
0x4a: {  	_ =	shalt  }
0x4b: {  	_ =	shalt  }
0x4c: {  	_ =	shalt  }
0x4d: {  	_ =	shalt  }
0x4e: {  	_ =	shalt  }
0x4f: {  	_ =	shalt  }
0x50: {  	_ =	shalt  }
0x51: {  	_ =	shalt  }
0x52: {  	_ =	shalt  }
0x53: {  	_ =	shalt  }
0x54: {  	_ =	shalt  }
0x55: {  	_ =	shalt  }
0x56: {  	_ =	shalt  }
0x57: {  	_ =	shalt  }
0x58: {  	_ =	shalt  }
0x59: {  	_ =	shalt  }
0x5a: {  	_ =	shalt  }
0x5b: {  	_ =	shalt  }
0x5c: {  	_ =	shalt  }
0x5d: {  	_ =	shalt  }
0x5e: {  	_ =	shalt  }
0x5f: {  	_ =	shalt  }
0x60: {  	_ =	shalt  }
0x61: {  	_ =	shalt  }
0x62: {  	_ =	shalt  }
0x63: {  	_ =	shalt  }
0x64: {  	_ =	shalt  }
0x65: {  	_ =	shalt  }
0x66: {  	_ =	shalt  }
0x67: {  	_ =	shalt  }
0x68: {  	_ =	shalt  }
0x69: {  	_ =	shalt  }
0x6a: {  	_ =	shalt  }
0x6b: {  	_ =	shalt  }
0x6c: {  	_ =	shalt  }
0x6d: {  	_ =	shalt  }
0x6e: {  	_ =	shalt  }
0x6f: {  	_ =	shalt  }
0x70: {  	_ =	shalt  }
0x71: {  	_ =	shalt  }
0x72: {  	_ =	shalt  }
0x73: {  	_ =	shalt  }
0x74: {  	_ =	shalt  }
0x75: {  	_ =	shalt  }
0x76: {  	_ =	shalt  }
0x77: {  	_ =	shalt  }
0x78: {  	_ =	shalt  }
0x79: {  	_ =	shalt  }
0x7a: {  	_ =	shalt  }
0x7b: {  	_ =	shalt  }
0x7c: {  	_ =	shalt  }
0x7d: {  	_ =	shalt  }
0x7e: {  	_ =	shalt  }
0x7f: {  	_ =	shalt  }
0x80: {  	_ =	shalt  }
0x81: {  	_ =	shalt  }
0x82: {  	_ =	shalt  }
0x83: {  	_ =	shalt  }
0x84: {  	_ =	shalt  }
0x85: {  	_ =	shalt  }
0x86: {  	_ =	shalt  }
0x87: {  	_ =	shalt  }
.Lfunc_end0:
.L_simem_size_0:
called_computation.2_lowered:
.L_overlay_start_0:
0x88: {  	s0 =	sld [smem:$0x3FD9]  }
0x89: {  	s1 =	sld [smem:$0x3FFE];
	_ =	sdelay $0x3  }
0x8a: {  	s0 =	sadd.s32 s1, s0  }
0x8b: {  	[smem:$0x3FC3] =	sst s0  }
0x8c: {  	_ = 	snop  }
0x8d: {  	(tm) =	ssettm $0x1  }
0x8e: {  	s15 =	sld [smem:$0x3FFB];
	_ =	sdelay $0x3  }
0x8f: {  	_ =	strace s15  }
0x90: {  	s0 =	sld [smem:$0x3FFC];
	_ =	sdelay $0x3  }
0x91: {  	_ =	strace s0  }
0x92: {  	s0 =	sld [smem:$0x3FFD];
	_ =	sdelay $0x3  }
0x93: {  	_ =	strace s0  }
0x94: {  	_ =	strace $0x8FFFFFFF  }
0x95: {  	s16 =	sld [smem:$0x3FDB];
	_ =	sdelay $0x1  }
0x96: {  	s17 =	simm.s32 $_scs_section_size  }
0x97: {  	s2 =	simm.s32 $_size__tile_overlayer_lowered;
	s3 =	simm.s32 $_tile_overlayer_lowered  }
0x98: {  	s20 =	simm.s32 $0x1BFF;
	s19 =	sshll.u32 s3, $0x1;
	s0 =	sadd.s32 s17, s16  }
0x99: {  	s4 =	simm.s32 $0x0;
	s18 =	sshll.u32 s2, $0x1;
	s2 =	sadd.s32 s19, s0  }
0x9a: {  	[timem:s4], [sflag:s20] =	dma.local [hbm:s2], s18  }
0x9b: {  	_ =	swait.ge [sflag:s20], s18  }
0x9c: {  	s1 =	ssub.s32 $0x0, s18;
	[sflag:s20] =	ssyncset.done $0x0  }
0x9d: {  	[sflag:s20] =	ssyncadd.s32 s1;
	_ =	sdelay $0x1  }
0x9e: {  	s21 =	simm.s32 $0x1B8B  }
0x9f: {  	_ =	swait.ge [sflag:s21], $0x1  }
0xa0: {  	[sflag:s21] =	ssyncset.done $0x0  }
0xa1: {  	s23 =	simm.s32 $0x1B8E;
	s22 =	sld [smem:$0x3FFE];
	[sflag:s21] =	ssyncadd.s32 $0xFFFFFFFF  }
0xa2: {  	s24 =	simm.s32 $execute0_lowered;
	[smem:$0x3FD2] =	sst s23  }
0xa3: {  	s2 =	sshll.u32 s24, $0x1;
	_ =	strace $0x80000049;
	[dreg:$0x1] =	wrdreg $0xFFFFFFFF  }
0xa4: {  	s25 =	simm.s32 $_size_execute0_lowered;
	s0 =	sadd.s32 s0, s2;
	[dreg:$0x0] =	wrdreg $0x0  }
0xa5: {  	s2 =	sshll.u32 s25, $0x1;
	[dreg:$0x2] =	wrdreg s0  }
0xa6: {  	[dreg:$0x3] =	wrdreg s2  }
0xa7: {  	[dreg:$0x4] =	wrdreg $0xC0  }
0xa8: {  	_ =	task [dreg:s4], $0x5FFFF  }
0xa9: {  	[dreg:$0x1] =	wrdreg $0xFFFFFFFF  }
0xaa: {  	[dreg:$0x0] =	wrdreg $0x60  }
0xab: {  	[dreg:$0x2] =	wrdreg s22  }
0xac: {  	[dreg:$0x3] =	wrdreg $0xA  }
0xad: {  	_ =	task.clear_ibuf [dreg:s4], $0x4FFFF;
	_ =	strace $0x90000049  }
0xae: {  	s26 =	simm.s32 $0xA;
	_ =	strace $0x8000004B  }
0xaf: {  	_ =	swait.ge [sflag:s26], $0x1  }
0xb0: {  	[sflag:s26] =	ssyncadd.s32 $0xFFFFFFFF  }
0xb1: {  	_ =	strace $0x9000004B  }
0xb2: {  	_ =	sfence  }
0xb3: {  	s28 =	sld [smem:$0x0];
	_ =	sdelay $0x1  }
0xb4: {  	s29 =	srdreg.scid  }
0xb5: {  	s30 =	sshll.u32 s29, $0xD;
	s31 =	sshrl.u32 s29, $0x2  }
0xb6: {  	s1 =	sand.u32 $0x1, s29;
	s2 =	sand.u32 $0x4000, s30;
	s0 =	sadd.s32 s31, s28  }
0xb7: {  	s1 =	sor.u32 s2, s1;
	s0 =	sshll.u32 s0, $0x11  }
0xb8: {  	s0 =	sor.u32 s0, s1  }
0xb9: {  	s0 =	sadd.s32 $0x8F2B, s0  }
0xba: {  	[sflag:s0] =	ssyncadd.remote.s32 $0x1  }
0xbb: {  	_ =	sfence.sel $0xFFFF  }
0xbc: {  	[dreg:$0x0] =	wrdreg $0xFFFFFFFF;
	(pc) =	sbr.abs _section_cstart, $3  }
0xbd: {  	[dreg:$0x1] =	wrdreg $0xFFFFFFFF  }
0xbe: {  	_ =	task.clear_ibuf [dreg:s4], $0x2FFFF;
	_ =	strace $0x9FFFFFFF  }
0xbf: {  	(tm) =	ssettm $0x7FFFFFFF  }
tec
execute0_lowered:
.L_overlay_start_1:
0x0: {  	(tag) =	ssettag $0x1  }
0x1: {  	s0 =	stileid.u32  }
0x2: {  	s1 =	smin.u32 s0, $0x9  }
0x3: {  	s1 =	sadd.s32 s0, s1  }
0x4: {  	p0 =	slt.u32 s0, $0x9;
	s2 =	smul.u32 $0x50, s1;
	s1 =	simm.s32 $0xA0  }
0x5: {  	s1 =	simm.s32 @!p0 $0x50  }
0x6: {  	s1 =	sadd.s32 s1, s2  }
0x7: {  	s3 =	smin.u32 s1, $0x7D0  }
0x8: {  	s7 =	ssub.s32 s3, s2  }
0x9: {  	p0 =	sgt.s32 s7, $0x0  }
0xa: {  	s7 =	simm.s32 @!p0 $0x0  }
0xb: {  	s31 =	smul.u32 $0xCCCD, s7  }
0xc: {  	s9 =	rddreg [dreg:$0x0];
	s6 =	simm.s32 $0x1;
	s11 =	simm.s32 $0x3  }
0xd: {  	s13 =	simm.s32 $0x0;
	s12 =	simm.s32 $0x0;
	s8 =	sshrl.u32 s31, $0x16  }
0xe: {  	s4 =	sadd.s32 $0x48200, s9;
	s5 =	sadd.s32 $0x48000, s9;
	s10 =	smul.u32 $0x50, s8  }
.Ltmp0:
0xf: {  	s9 =	sadd.s32 $0xC8400, s9;
	s1 =	rddreg [dreg:$0x1];
	(pc) =	sbr.rel .LBB2_1-.Ltmp0, $4  }
0x10: {  	_ =	strace $0x8000004A;
	p0 =	sne.s32 s7, s10;
	s10 =	simm.s32 $0x1  }
0x11: {  	[sflag:s6] =	ssyncpa.u1 $0x0;
	s7 =	simm.s32 $0x2;
	s10 =	simm.s32 @!p0 $0x0  }
0x12: {  	[sflag:s7] =	ssyncpa.u1 $0x0;
	p0 =	por $0x0, $0x0;
	s8 =	sadd.s32 s8, s10  }
0x13: {  	vm0 =	vmmov $0xff;
	vm1 =	vcmask $0x3F20;
	[sflag:s11] =	ssyncpa.u1 $0x0;
	s11 =	smov.u32 s2;
	s10 =	sadd.s32 $0x1, s8  }
.LBB2_6:
0x14: {  	[hbm:s17] =	stream.linear.scatter [tilespmem:s14], [sflag:$0x3], $0x400, $0x38;
	[tilespmem:$0x50A0] =	vst v63  }
.LBB2_7:
0x15: {  	s13 =	sadd.s32 $0x50, s11  }
0x16: {  	s15 =	smov.u32 s2;
	p2 =	slt.s32 s13, s3  }
0x17: {  	s15 =	smov.u32 @p2 s13;
	p2 =	sne.s32 s12, s10  }
.Ltmp1:
0x18: {  	p1 =	slt.u32 s12, $0x2;
	(pc) =	sbr.rel @!p2 .LBB2_8-.Ltmp1, $4  }
0x19: {  	s14 =	simm.s32 @!p1 $0x3  }
0x1a: {  	s16 =	sadd.s32 $0x1, s12;
	_ =	swait.ge @!p1 [sflag:s14], $0x2800  }
0x1b: {  	p0 =	por !p0, !p0;
	s13 =	smov.u32 s11;
	[sflag:s14] =	ssyncset.done @!p1 $0x0  }
0x1c: {  	s12 =	smov.u32 s16;
	s11 =	smov.u32 s15;
	[sflag:s14] =	ssyncadd.s32 @!p1 $0xFFFFD800  }
.LBB2_1:
0x1d: {  	p1 =	sge.u32 s12, s8  }
0x1e: {  	s14 =	sxor.u32 @!p1 $0xFFFFFFFF, s12  }
0x1f: {  	s14 =	sand.u32 @!p1 $0x1, s14  }
0x20: {  	s14 =	smul.u32 @!p1 $0x140, s14  }
0x21: {  	s31 =	sadd.s32 $0xFFFFFFFF, s12;
	s15 =	sshrl.u32 @!p1 s11, $0x3  }
0x22: {  	s16 =	sand.u32 @!p1 $0x7, s11;
	s15 =	sadd.s32 @!p1 s5, s15;
	s14 =	sshrl.u32 @!p1 s14, $0x2  }
0x23: {  	[tilespmem:s14], [sflag:$0x2] =	stream.linear.gather @!p1 [hbm4b:s15+s16], $0x50, $0x38;
	[tilespmem:$0x50A0] =	vst v63  }
0x24: {  	p1 =	sge.u32 s31, s8  }
.Ltmp2:
0x25: {  	_ = 	snop;
	(pc) =	sbr.rel @p1 .LBB2_7-.Ltmp2, $1  }
0x26: {  	_ =	sdelay $0x3  }
0x27: {  	s14 =	simm.s32 $0x1  }
0x28: {  	s14 =	simm.s32 @!p0 $0x0  }
0x29: {  	s15 =	smul.u32 $0x140, s14  }
0x2a: {  	_ =	swait.ge [sflag:s7], $0x50  }
0x2b: {  	[sflag:s7] =	ssyncset.done $0x0;
	s16 =	sshrl.u32 s15, $0x2  }
0x2c: {  	[sflag:s7] =	ssyncadd.s32 $0xFFFFFFB0;
	s15 =	sadd.s32 $0x0, s16  }
0x2d: {  	v0 =	vld.msk [tilespmem:s15+$0x0 ss:$0x1], $0xffff;
	_ =	sdelay $0x4  }
0x2e: {  	v1 =	vshll.u32 v0, $0x6  }
0x2f: {  	vm2 =	veq.s32 v0, $0x80000000;
	v0 =	vshll.u32 v0, $0x15;
	v1 =	vand.u32 $0x1FFF80, v1  }
0x30: {  	v0 =	vand.u32 $0x200000, v0;
	v1 =	vsel vm2, $0xFFFFFF80, v1  }
0x31: {  	v0 =	vsel vm2, $0xFFE00000, v0;
	v2 =	vand.u32 $0xFFFFFC00, v1  }
0x32: {  	v1 =	vand.u32 $0x380, v1;
	v0 =	vadd.s32 v0, v2  }
0x33: {  	v0 =	vor.u32 v1, v0  }
0x34: {  	v0 =	vshrl.u32 v0, $0x3  }
0x35: {  	s14 =	smul.u32 $0xA000, s14;
	_ =	sdelay $0x1  }
0x36: {  	s14 =	sshrl.u32 s14, $0x2  }
0x37: {  	s14 =	sor.u32 $0xA0, s14  }
0x38: {  	[tilespmem:s14], [sflag:$0x1] =	stream.indirect_vreg.gather [hbm:s4], $0x80, v0, vm0, $0x38;
	[tilespmem:$0x50A0] =	vst v63  }
0x39: {  	s17 =	sadd.s32 $0x10, s16;
	s15 =	sadd.s32 $0x400, s14  }
0x3a: {  	[tilespmem:s15], [sflag:$0x1] =	stream.indirect_vreg.gather [hbm:s4], $0x80, v0, vm1, $0x38;
	[tilespmem:$0x50A0] =	vst v63  }
0x3b: {  	s18 =	simm.s32 $0x80;
	v0 =	vld.msk [tilespmem:s17+$0x0 ss:$0x1], $0xffff;
	s17 =	smov.u32 s14  }
.LBB2_3:
0x3c: {  	p1 =	sne.s32 s18, $0x100;
	_ =	sdelay $0x4  }
0x3d: {  	v1 =	vshll.u32 v0, $0x6  }
0x3e: {  	vm2 =	veq.s32 v0, $0x80000000;
	v0 =	vshll.u32 v0, $0x15;
	v1 =	vand.u32 $0x1FFF80, v1  }
0x3f: {  	v0 =	vand.u32 $0x200000, v0;
	v1 =	vsel vm2, $0xFFFFFF80, v1  }
0x40: {  	v0 =	vsel vm2, $0xFFE00000, v0;
	v2 =	vand.u32 $0xFFFFFC00, v1  }
0x41: {  	v1 =	vand.u32 $0x380, v1;
	v0 =	vadd.s32 v0, v2  }
0x42: {  	v0 =	vor.u32 v1, v0  }
0x43: {  	v0 =	vshrl.u32 v0, $0x3;
	_ =	sdelay $0x3  }
.Ltmp3:
0x44: {  	s19 =	sshra.s32 s18, $0x2;
	s17 =	sadd.s32 $0x800, s17;
	(pc) =	sbr.rel @p1 .LBB2_3-.Ltmp3, $4  }
0x45: {  	[tilespmem:s17], [sflag:$0x1] =	stream.indirect_vreg.gather [hbm:s4], $0x80, v0, vm0, $0x38;
	[tilespmem:$0x50A0] =	vst v63  }
0x46: {  	s19 =	sadd.s32 s19, s16;
	s20 =	sadd.s32 $0x400, s17  }
0x47: {  	[tilespmem:s20], [sflag:$0x1] =	stream.indirect_vreg.gather [hbm:s4], $0x80, v0, vm1, $0x38;
	[tilespmem:$0x50A0] =	vst v63  }
0x48: {  	s18 =	sadd.s32 $0x40, s18;
	v0 =	vld.msk [tilespmem:s19+$0x0 ss:$0x1], $0xffff  }
0x49: {  	_ =	sdelay $0x3  }
0x4a: {  	v1 =	vshll.u32 v0, $0x6  }
0x4b: {  	vm2 =	veq.s32 v0, $0x80000000;
	v63 =	vshll.u32 v0, $0x15;
	v1 =	vand.u32 $0x1FFF80, v1  }
0x4c: {  	v0 =	vand.u32 $0x200000, v63;
	v1 =	vsel vm2, $0xFFFFFF80, v1  }
0x4d: {  	v0 =	vsel vm2, $0xFFE00000, v0;
	v2 =	vand.u32 $0xFFFFFC00, v1  }
0x4e: {  	v1 =	vand.u32 $0x380, v1;
	v0 =	vadd.s32 v0, v2  }
0x4f: {  	v0 =	vor.u32 v1, v0  }
0x50: {  	v0 =	vshrl.u32 v0, $0x3;
	_ =	sdelay $0x3  }
0x51: {  	s16 =	sadd.s32 $0x800, s17  }
0x52: {  	[tilespmem:s16], [sflag:$0x1] =	stream.indirect_vreg.gather [hbm:s4], $0x80, v0, vm0, $0x38;
	[tilespmem:$0x50A0] =	vst v63  }
0x53: {  	s16 =	sadd.s32 $0x400, s16  }
0x54: {  	[tilespmem:s16], [sflag:$0x1] =	stream.indirect_vreg.gather [hbm:s4], $0x80, v0, vm1, $0x38;
	[tilespmem:$0x50A0] =	vst v63  }
0x55: {  	s13 =	sshll.u32 s13, $0x4;
	_ =	swait.ge [sflag:s6], $0x2800  }
0x56: {  	s13 =	sadd.s32 s13, s9;
	[sflag:s6] =	ssyncset.done $0x0  }
0x57: {  	s17 =	sadd.s32 $0x0, s13;
	s16 =	simm.s32 $0x80;
	[sflag:s6] =	ssyncadd.s32 $0xFFFFD800  }
.LBB2_5:
0x58: {  	[hbm:s17] =	stream.linear.scatter [tilespmem:s14], [sflag:$0x3], $0x400, $0x38;
	[tilespmem:$0x50A0] =	vst v63  }
0x59: {  	s17 =	smov.u32 s16;
	s14 =	smov.u32 s15;
	p1 =	sne.s32 s16, $0x480  }
.Ltmp4:
0x5a: {  	s16 =	sadd.s32 $0x80, s16;
	(pc) =	sbr.rel @p1 .LBB2_5-.Ltmp4, $2  }
0x5b: {  	_ =	sdelay $0x2  }
0x5c: {  	s15 =	sadd.s32 $0x400, s15;
	s17 =	sadd.s32 s17, s13  }
.Ltmp5:
0x5d: {  	_ = 	snop;
	(pc) =	sbr.rel .LBB2_6-.Ltmp5, $1  }
0x5e: {  	_ =	sdelay $0x3  }
.LBB2_8:
0x5f: {  	_ =	sfence.sel $0x180000  }
0x60: {  	s2 =	simm.s32 $0x2;
	[bflag:$0x0] =	sbarrier.arrive $0xFFFF  }
0x61: {  	s30 =	simm.s32 $0x3;
	[sflag:s2] =	ssyncpa.u1 $0x1  }
0x62: {  	s31 =	simm.s32 $0x1;
	[sflag:s30] =	ssyncpa.u1 $0x1  }
0x63: {  	[sflag:s31] =	ssyncpa.u1 $0x1  }
0x64: {  	p0 =	sne.s32 s0, $0x0;
	_ =	strace $0x9000004A  }
0x65: {  	s0 =	sadd.s32 @!p0 $0x100000, s1;
	[bflag:$0x2] =	sbarrier.arrive $0xFFFF  }
0x66: {  	[sflag:s0] =	ssyncadd.tile.s32 @!p0 $0x1;
	_ =	shalt  }
.Lfunc_end2:
_tile_overlayer_lowered:
.L_overlay_start_2:
0x67: {  	(tag) =	ssettag $0x2  }
0x68: {  	s0 =	rddreg [dreg:$0x0];
	s2 =	stileid.u32  }
0x69: {  	s1 =	rddreg [dreg:$0x1];
	p0 =	sne.s32 s2, $0x0  }
0x6a: {  	s3 =	rddreg [dreg:$0x2];
	[bflag:$0x3] =	sbarrier.arrive $0xFFFF;
	s2 =	simm.s32 @!p0 $0x1C01  }
0x6b: {  	[timem:s3], [sflag:s2] =	dma.local @!p0 [hbm:s0], s1  }
0x6c: {  	s0 =	simm.s32 @!p0 $0x1  }
0x6d: {  	_ =	swait.ge @!p0 [sflag:s0], s1  }
0x6e: {  	s1 =	ssub.s32 @!p0 $0x0, s1;
	[sflag:s0] =	ssyncset.done @!p0 $0x0  }
0x6f: {  	[sflag:s0] =	ssyncadd.s32 @!p0 s1  }
0x70: {  	[bflag:$0x3] =	sbarrier.arrive $0xFFFF  }
0x71: {  	_ =	shalt  }

// kernel: gather_offload_async_start.3
scs
__scs_entry_jumppad:
0x0: {  	(pc) =	sbr.rel $0x88, $3  }
0x1: {  	(tag) =	ssettag $0x0;
	lr =	simm.s32 $0x1  }
0x2: {  	[smem:$0x3F9C] =	sst lr;
	_ =	strace $0xD0000000  }
0x3: {  	_ = 	snop  }
0x4: {  	_ = 	snop  }
0x5: {  	_ = 	snop  }
0x6: {  	_ = 	snop  }
0x7: {  	_ = 	snop  }
__scs_overlays_trampoline_lowered:
0x8: {  	[smem:$0x3FAB] =	sst s0  }
0x9: {  	[smem:$0x3FAC] =	sst s1  }
0xa: {  	[smem:$0x3FAD] =	sst s2  }
0xb: {  	[smem:$0x3FAE] =	sst s3  }
0xc: {  	[smem:$0x3FAF] =	sst s4  }
0xd: {  	[smem:$0x3FB0] =	sst s5  }
0xe: {  	[smem:$0x3FB1] =	sst s6  }
0xf: {  	[smem:$0x3FB2] =	sst s7  }
0x10: {  	[smem:$0x3FB3] =	sst s8  }
0x11: {  	[smem:$0x3FB4] =	sst s9;
	s0 =	simm.s32 @!p0 $0x0  }
0x12: {  	s1 =	sld [smem:$0x3F9A];
	s0 =	simm.s32 @p0 $0x1  }
0x13: {  	[smem:$0x3FB5] =	sst s0;
	s0 =	simm.s32 @!p1 $0x0  }
0x14: {  	s2 =	sld [smem:$0x3F99];
	s0 =	simm.s32 @p1 $0x1  }
0x15: {  	[smem:$0x3FB6] =	sst s0;
	s0 =	simm.s32 @!p2 $0x0  }
0x16: {  	s3 =	sld [smem:$0x3FDB];
	s0 =	simm.s32 @p2 $0x1  }
0x17: {  	s4 =	simm.s32 $0x1BF5;
	[smem:$0x3FB8] =	sst s0  }
0x18: {  	s0 =	sld [smem:$0x3F9B];
	_ =	swait.ge [sflag:s4], $0x0  }
0x19: {  	s7 =	sld [smem:$0x3F9C]  }
0x1a: {  	s8 =	sadd.s32 $0xFFFFE003, lr  }
0x1b: {  	s9 =	sadd.s32 $0xFFFFFEF7, lr;
	s5 =	simm.s32 $0xFFFFFFFF;
	p2 =	slt.u32 s8, $0xFFFFF086  }
0x1c: {  	p1 =	slt.u32 s9, $0xF7A;
	s5 =	simm.s32 @!p2 $0x0  }
0x1d: {  	s5 =	simm.s32 @p1 $0x1;
	p0 =	seq.s32 s7, s2  }
0x1e: {  	s7 =	smul.u32 @!p0 $0xF7A, s2;
	p2 =	seq.s32 @!p0 s5, $0x0  }
0x1f: {  	s9 =	smul.u32 $0xF7A, s1;
	s8 =	simm.s32 @!p0 $0x1BF5;
	p2 =	por !p2, p0  }
0x20: {  	[sflag:s8] =	ssyncset.s32 @!p0 $0xFFFFF086;
	s6 =	sadd.s32 @!p0 s3, s7;
	s7 =	simm.s32 @!p0 $0x108  }
0x21: {  	s3 =	sadd.s32 s3, s9;
	s6 =	sadd.s32 @!p0 $0x88, s6;
	s7 =	simm.s32 @p2 $0x1082  }
0x22: {  	[simem:s7], [sflag:s8] =	dma.local @!p0 [hbm:s6], $0xF7A  }
0x23: {  	s9 =	sor.u32 $0xD0000000, s2;
	s6 =	simm.s32 $0x108;
	_ =	swait.ge @!p0 [sflag:s8], $0x0  }
0x24: {  	s3 =	sadd.s32 $0x88, s3;
	s6 =	simm.s32 @!p1 $0x1082;
	[sflag:s4] =	ssyncset.s32 $0xFFFFF086  }
0x25: {  	[simem:s6], [sflag:s4] =	dma.local [hbm:s3], $0xF7A  }
0x26: {  	[smem:$0x3F9C] =	sst s1;
	(tag) =	ssettag s2;
	_ =	strace s9  }
0x27: {  	s1 =	sld [smem:$0x3FAC]  }
0x28: {  	s2 =	sld [smem:$0x3FAD]  }
0x29: {  	s4 =	sld [smem:$0x3FAF]  }
0x2a: {  	p0 =	seq.s32 s5, $0x0;
	s5 =	sld [smem:$0x3FB0]  }
0x2b: {  	s6 =	sld [smem:$0x3FB1]  }
0x2c: {  	s7 =	sld [smem:$0x3FB2]  }
0x2d: {  	s3 =	simm.s32 $0x108;
	s8 =	sld [smem:$0x3FB3]  }
0x2e: {  	s3 =	simm.s32 @!p0 $0x1082;
	s9 =	sld [smem:$0x3FB4]  }
0x2f: {  	lr =	sadd.s32 s0, s3;
	s0 =	sld [smem:$0x3FAB]  }
0x30: {  	s3 =	sld [smem:$0x3FAE]  }
0x31: {  	[smem:$0x3FB7] =	sst s10  }
0x32: {  	s10 =	sld [smem:$0x3FB5];
	_ =	sdelay $0x3  }
0x33: {  	p0 =	seq.s32 s10, $0x1;
	s10 =	sld [smem:$0x3FB7];
	_ =	sdelay $0x3  }
0x34: {  	[smem:$0x3FB7] =	sst s10  }
0x35: {  	s10 =	sld [smem:$0x3FB6];
	_ =	sdelay $0x3  }
0x36: {  	p1 =	seq.s32 s10, $0x1;
	s10 =	sld [smem:$0x3FB7];
	_ =	sdelay $0x3  }
0x37: {  	[smem:$0x3FB7] =	sst s10  }
0x38: {  	s10 =	sld [smem:$0x3FB8]  }
0x39: {  	_ = 	snop;
	(pc) =	sbr.ind lr, $3  }
0x3a: {  	_ = 	snop  }
0x3b: {  	_ = 	snop  }
0x3c: {  	p2 =	seq.s32 s10, $0x1;
	s10 =	sld [smem:$0x3FB7]  }
0x3d: {  	_ =	shalt  }
0x3e: {  	_ =	shalt  }
0x3f: {  	_ =	shalt  }
0x40: {  	_ =	shalt  }
0x41: {  	_ =	shalt  }
0x42: {  	_ =	shalt  }
0x43: {  	_ =	shalt  }
0x44: {  	_ =	shalt  }
0x45: {  	_ =	shalt  }
0x46: {  	_ =	shalt  }
0x47: {  	_ =	shalt  }
0x48: {  	_ =	shalt  }
0x49: {  	_ =	shalt  }
0x4a: {  	_ =	shalt  }
0x4b: {  	_ =	shalt  }
0x4c: {  	_ =	shalt  }
0x4d: {  	_ =	shalt  }
0x4e: {  	_ =	shalt  }
0x4f: {  	_ =	shalt  }
0x50: {  	_ =	shalt  }
0x51: {  	_ =	shalt  }
0x52: {  	_ =	shalt  }
0x53: {  	_ =	shalt  }
0x54: {  	_ =	shalt  }
0x55: {  	_ =	shalt  }
0x56: {  	_ =	shalt  }
0x57: {  	_ =	shalt  }
0x58: {  	_ =	shalt  }
0x59: {  	_ =	shalt  }
0x5a: {  	_ =	shalt  }
0x5b: {  	_ =	shalt  }
0x5c: {  	_ =	shalt  }
0x5d: {  	_ =	shalt  }
0x5e: {  	_ =	shalt  }
0x5f: {  	_ =	shalt  }
0x60: {  	_ =	shalt  }
0x61: {  	_ =	shalt  }
0x62: {  	_ =	shalt  }
0x63: {  	_ =	shalt  }
0x64: {  	_ =	shalt  }
0x65: {  	_ =	shalt  }
0x66: {  	_ =	shalt  }
0x67: {  	_ =	shalt  }
0x68: {  	_ =	shalt  }
0x69: {  	_ =	shalt  }
0x6a: {  	_ =	shalt  }
0x6b: {  	_ =	shalt  }
0x6c: {  	_ =	shalt  }
0x6d: {  	_ =	shalt  }
0x6e: {  	_ =	shalt  }
0x6f: {  	_ =	shalt  }
0x70: {  	_ =	shalt  }
0x71: {  	_ =	shalt  }
0x72: {  	_ =	shalt  }
0x73: {  	_ =	shalt  }
0x74: {  	_ =	shalt  }
0x75: {  	_ =	shalt  }
0x76: {  	_ =	shalt  }
0x77: {  	_ =	shalt  }
0x78: {  	_ =	shalt  }
0x79: {  	_ =	shalt  }
0x7a: {  	_ =	shalt  }
0x7b: {  	_ =	shalt  }
0x7c: {  	_ =	shalt  }
0x7d: {  	_ =	shalt  }
0x7e: {  	_ =	shalt  }
0x7f: {  	_ =	shalt  }
0x80: {  	_ =	shalt  }
0x81: {  	_ =	shalt  }
0x82: {  	_ =	shalt  }
0x83: {  	_ =	shalt  }
0x84: {  	_ =	shalt  }
0x85: {  	_ =	shalt  }
0x86: {  	_ =	shalt  }
0x87: {  	_ =	shalt  }
.Lfunc_end0:
.L_simem_size_0:
called_computation.3_lowered:
.L_overlay_start_0:
0x88: {  	s0 =	sld [smem:$0x3FD9]  }
0x89: {  	s1 =	sld [smem:$0x3FFE];
	_ =	sdelay $0x3  }
0x8a: {  	s0 =	sadd.s32 s1, s0  }
0x8b: {  	[smem:$0x3FC3] =	sst s0  }
0x8c: {  	_ = 	snop  }
0x8d: {  	(tm) =	ssettm $0x1  }
0x8e: {  	s15 =	sld [smem:$0x3FFB];
	_ =	sdelay $0x3  }
0x8f: {  	_ =	strace s15  }
0x90: {  	s0 =	sld [smem:$0x3FFC];
	_ =	sdelay $0x3  }
0x91: {  	_ =	strace s0  }
0x92: {  	s0 =	sld [smem:$0x3FFD];
	_ =	sdelay $0x3  }
0x93: {  	_ =	strace s0  }
0x94: {  	_ =	strace $0x8FFFFFFF  }
0x95: {  	s16 =	sld [smem:$0x3FDB];
	_ =	sdelay $0x1  }
0x96: {  	s17 =	simm.s32 $_scs_section_size  }
0x97: {  	s2 =	simm.s32 $_size__tile_overlayer_lowered;
	s3 =	simm.s32 $_tile_overlayer_lowered  }
0x98: {  	s20 =	simm.s32 $0x1BFF;
	s19 =	sshll.u32 s3, $0x1;
	s0 =	sadd.s32 s17, s16  }
0x99: {  	s4 =	simm.s32 $0x0;
	s18 =	sshll.u32 s2, $0x1;
	s2 =	sadd.s32 s19, s0  }
0x9a: {  	[timem:s4], [sflag:s20] =	dma.local [hbm:s2], s18  }
0x9b: {  	_ =	swait.ge [sflag:s20], s18  }
0x9c: {  	s1 =	ssub.s32 $0x0, s18;
	[sflag:s20] =	ssyncset.done $0x0  }
0x9d: {  	[sflag:s20] =	ssyncadd.s32 s1;
	_ =	sdelay $0x1  }
0x9e: {  	s21 =	simm.s32 $0x1B8B  }
0x9f: {  	_ =	swait.ge [sflag:s21], $0x1  }
0xa0: {  	[sflag:s21] =	ssyncset.done $0x0  }
0xa1: {  	s23 =	simm.s32 $0x1B8E;
	s22 =	sld [smem:$0x3FFE];
	[sflag:s21] =	ssyncadd.s32 $0xFFFFFFFF  }
0xa2: {  	s24 =	simm.s32 $execute0_lowered;
	[smem:$0x3FD2] =	sst s23  }
0xa3: {  	s2 =	sshll.u32 s24, $0x1;
	_ =	strace $0x8000004F;
	[dreg:$0x1] =	wrdreg $0xFFFFFFFF  }
0xa4: {  	s25 =	simm.s32 $_size_execute0_lowered;
	s0 =	sadd.s32 s0, s2;
	[dreg:$0x0] =	wrdreg $0x0  }
0xa5: {  	s2 =	sshll.u32 s25, $0x1;
	[dreg:$0x2] =	wrdreg s0  }
0xa6: {  	[dreg:$0x3] =	wrdreg s2  }
0xa7: {  	[dreg:$0x4] =	wrdreg $0xC0  }
0xa8: {  	_ =	task [dreg:s4], $0x5FFFF  }
0xa9: {  	[dreg:$0x1] =	wrdreg $0xFFFFFFFF  }
0xaa: {  	[dreg:$0x0] =	wrdreg $0x60  }
0xab: {  	[dreg:$0x2] =	wrdreg s22  }
0xac: {  	[dreg:$0x3] =	wrdreg $0xA  }
0xad: {  	_ =	task.clear_ibuf [dreg:s4], $0x4FFFF;
	_ =	strace $0x9000004F  }
0xae: {  	s26 =	simm.s32 $0xA;
	_ =	strace $0x80000051  }
0xaf: {  	_ =	swait.ge [sflag:s26], $0x1  }
0xb0: {  	[sflag:s26] =	ssyncadd.s32 $0xFFFFFFFF  }
0xb1: {  	_ =	strace $0x90000051  }
0xb2: {  	_ =	sfence  }
0xb3: {  	s28 =	sld [smem:$0x0];
	_ =	sdelay $0x1  }
0xb4: {  	s29 =	srdreg.scid  }
0xb5: {  	s30 =	sshll.u32 s29, $0xD;
	s31 =	sshrl.u32 s29, $0x2  }
0xb6: {  	s1 =	sand.u32 $0x1, s29;
	s2 =	sand.u32 $0x4000, s30;
	s0 =	sadd.s32 s31, s28  }
0xb7: {  	s1 =	sor.u32 s2, s1;
	s0 =	sshll.u32 s0, $0x11  }
0xb8: {  	s0 =	sor.u32 s0, s1  }
0xb9: {  	s0 =	sadd.s32 $0x8F2B, s0  }
0xba: {  	[sflag:s0] =	ssyncadd.remote.s32 $0x1  }
0xbb: {  	_ =	sfence.sel $0xFFFF  }
0xbc: {  	[dreg:$0x0] =	wrdreg $0xFFFFFFFF;
	(pc) =	sbr.abs _section_cstart, $3  }
0xbd: {  	[dreg:$0x1] =	wrdreg $0xFFFFFFFF  }
0xbe: {  	_ =	task.clear_ibuf [dreg:s4], $0x2FFFF;
	_ =	strace $0x9FFFFFFF  }
0xbf: {  	(tm) =	ssettm $0x7FFFFFFF  }
tec
execute0_lowered:
.L_overlay_start_1:
0x0: {  	(tag) =	ssettag $0x1  }
0x1: {  	s0 =	stileid.u32  }
0x2: {  	s1 =	smin.u32 s0, $0x9  }
0x3: {  	s1 =	sadd.s32 s0, s1  }
0x4: {  	p0 =	slt.u32 s0, $0x9;
	s2 =	smul.u32 $0x50, s1;
	s1 =	simm.s32 $0xA0  }
0x5: {  	s1 =	simm.s32 @!p0 $0x50  }
0x6: {  	s1 =	sadd.s32 s1, s2  }
0x7: {  	s3 =	smin.u32 s1, $0x7D0  }
0x8: {  	s7 =	ssub.s32 s3, s2  }
0x9: {  	p0 =	sgt.s32 s7, $0x0  }
0xa: {  	s7 =	simm.s32 @!p0 $0x0  }
0xb: {  	s31 =	smul.u32 $0xCCCD, s7  }
0xc: {  	s9 =	rddreg [dreg:$0x0];
	s6 =	simm.s32 $0x1;
	s11 =	simm.s32 $0x3  }
0xd: {  	s13 =	simm.s32 $0x0;
	s12 =	simm.s32 $0x0;
	s8 =	sshrl.u32 s31, $0x16  }
0xe: {  	s4 =	sadd.s32 $0x400, s9;
	s5 =	sadd.s32 $0x8200, s9;
	s10 =	smul.u32 $0x50, s8  }
.Ltmp0:
0xf: {  	s9 =	sadd.s32 $0x8600, s9;
	s1 =	rddreg [dreg:$0x1];
	(pc) =	sbr.rel .LBB2_1-.Ltmp0, $4  }
0x10: {  	_ =	strace $0x80000050;
	p0 =	sne.s32 s7, s10;
	s10 =	simm.s32 $0x1  }
0x11: {  	[sflag:s6] =	ssyncpa.u1 $0x0;
	s7 =	simm.s32 $0x2;
	s10 =	simm.s32 @!p0 $0x0  }
0x12: {  	[sflag:s7] =	ssyncpa.u1 $0x0;
	p0 =	por $0x0, $0x0;
	s8 =	sadd.s32 s8, s10  }
0x13: {  	v0 =	vimm.s32 $0x0;
	vm0 =	vmmov $0xff;
	vm1 =	vcmask $0x3F20;
	[sflag:s11] =	ssyncpa.u1 $0x0;
	s11 =	smov.u32 s2;
	s10 =	sadd.s32 $0x1, s8  }
.LBB2_6:
0x14: {  	[hbm:s17] =	stream.linear.scatter [tilespmem:s14], [sflag:$0x3], $0x400, $0x38;
	[tilespmem:$0x50A0] =	vst v63  }
.LBB2_7:
0x15: {  	s13 =	sadd.s32 $0x50, s11  }
0x16: {  	s15 =	smov.u32 s2;
	p2 =	slt.s32 s13, s3  }
0x17: {  	s15 =	smov.u32 @p2 s13;
	p2 =	sne.s32 s12, s10  }
.Ltmp1:
0x18: {  	p1 =	slt.u32 s12, $0x2;
	(pc) =	sbr.rel @!p2 .LBB2_8-.Ltmp1, $4  }
0x19: {  	s14 =	simm.s32 @!p1 $0x3  }
0x1a: {  	s16 =	sadd.s32 $0x1, s12;
	_ =	swait.ge @!p1 [sflag:s14], $0x2800  }
0x1b: {  	p0 =	por !p0, !p0;
	s13 =	smov.u32 s11;
	[sflag:s14] =	ssyncset.done @!p1 $0x0  }
0x1c: {  	s12 =	smov.u32 s16;
	s11 =	smov.u32 s15;
	[sflag:s14] =	ssyncadd.s32 @!p1 $0xFFFFD800  }
.LBB2_1:
0x1d: {  	p1 =	sge.u32 s12, s8  }
0x1e: {  	s14 =	sxor.u32 @!p1 $0xFFFFFFFF, s12  }
0x1f: {  	s14 =	sand.u32 @!p1 $0x1, s14  }
0x20: {  	s14 =	smul.u32 @!p1 $0x140, s14  }
0x21: {  	s31 =	sadd.s32 $0xFFFFFFFF, s12;
	s15 =	sshrl.u32 @!p1 s11, $0x3  }
0x22: {  	s16 =	sand.u32 @!p1 $0x7, s11;
	s15 =	sadd.s32 @!p1 s5, s15;
	s14 =	sshrl.u32 @!p1 s14, $0x2  }
0x23: {  	[tilespmem:s14], [sflag:$0x2] =	stream.linear.gather @!p1 [hbm4b:s15+s16], $0x50, $0x38;
	[tilespmem:$0x50A0] =	vst v63  }
0x24: {  	p1 =	sge.u32 s31, s8  }
.Ltmp2:
0x25: {  	_ = 	snop;
	(pc) =	sbr.rel @p1 .LBB2_7-.Ltmp2, $1  }
0x26: {  	_ =	sdelay $0x3  }
0x27: {  	s14 =	simm.s32 $0x1  }
0x28: {  	s14 =	simm.s32 @!p0 $0x0  }
0x29: {  	s15 =	smul.u32 $0x140, s14  }
0x2a: {  	_ =	swait.ge [sflag:s7], $0x50  }
0x2b: {  	[sflag:s7] =	ssyncset.done $0x0;
	s16 =	sshrl.u32 s15, $0x2  }
0x2c: {  	[sflag:s7] =	ssyncadd.s32 $0xFFFFFFB0;
	s15 =	sadd.s32 $0x0, s16  }
0x2d: {  	v1 =	vld.msk [tilespmem:s15+$0x0 ss:$0x1], $0xffff;
	_ =	sdelay $0x4  }
0x2e: {  	v2 =	vand.u32 $0x1, v1;
	v3 =	vshll.u32 v1, $0x6  }
0x2f: {  	vm2 =	veq.s32 v1, $0x80000000;
	vm3 =	veq.s32 v2, $0x1;
	v1 =	vand.u32 $0x1FF80, v3  }
0x30: {  	v2 =	vsel vm3, $0x1F400, v0;
	v1 =	vsel vm2, $0xFFFFFF80, v1  }
0x31: {  	v2 =	vsel vm2, $0xFFFE0C00, v2;
	v3 =	vand.u32 $0xFFFFFC00, v1  }
0x32: {  	v1 =	vand.u32 $0x380, v1;
	v2 =	vadd.s32 v2, v3  }
0x33: {  	v1 =	vor.u32 v1, v2  }
0x34: {  	v1 =	vshrl.u32 v1, $0x3  }
0x35: {  	s14 =	smul.u32 $0xA000, s14;
	_ =	sdelay $0x1  }
0x36: {  	s14 =	sshrl.u32 s14, $0x2  }
0x37: {  	s14 =	sor.u32 $0xA0, s14  }
0x38: {  	[tilespmem:s14], [sflag:$0x1] =	stream.indirect_vreg.gather [hbm:s4], $0x80, v1, vm0, $0x38;
	[tilespmem:$0x50A0] =	vst v63  }
0x39: {  	s17 =	sadd.s32 $0x10, s16;
	s15 =	sadd.s32 $0x400, s14  }
0x3a: {  	[tilespmem:s15], [sflag:$0x1] =	stream.indirect_vreg.gather [hbm:s4], $0x80, v1, vm1, $0x38;
	[tilespmem:$0x50A0] =	vst v63  }
0x3b: {  	s18 =	simm.s32 $0x80;
	v1 =	vld.msk [tilespmem:s17+$0x0 ss:$0x1], $0xffff;
	s17 =	smov.u32 s14  }
.LBB2_3:
0x3c: {  	p1 =	sne.s32 s18, $0x100;
	_ =	sdelay $0x4  }
0x3d: {  	v2 =	vand.u32 $0x1, v1;
	v3 =	vshll.u32 v1, $0x6  }
0x3e: {  	vm2 =	veq.s32 v1, $0x80000000;
	vm3 =	veq.s32 v2, $0x1;
	v1 =	vand.u32 $0x1FF80, v3  }
0x3f: {  	v2 =	vsel vm3, $0x1F400, v0;
	v1 =	vsel vm2, $0xFFFFFF80, v1  }
0x40: {  	v2 =	vsel vm2, $0xFFFE0C00, v2;
	v3 =	vand.u32 $0xFFFFFC00, v1  }
0x41: {  	v1 =	vand.u32 $0x380, v1;
	v2 =	vadd.s32 v2, v3  }
0x42: {  	v1 =	vor.u32 v1, v2  }
0x43: {  	v1 =	vshrl.u32 v1, $0x3;
	_ =	sdelay $0x3  }
.Ltmp3:
0x44: {  	s19 =	sshra.s32 s18, $0x2;
	s17 =	sadd.s32 $0x800, s17;
	(pc) =	sbr.rel @p1 .LBB2_3-.Ltmp3, $4  }
0x45: {  	[tilespmem:s17], [sflag:$0x1] =	stream.indirect_vreg.gather [hbm:s4], $0x80, v1, vm0, $0x38;
	[tilespmem:$0x50A0] =	vst v63  }
0x46: {  	s19 =	sadd.s32 s19, s16;
	s20 =	sadd.s32 $0x400, s17  }
0x47: {  	[tilespmem:s20], [sflag:$0x1] =	stream.indirect_vreg.gather [hbm:s4], $0x80, v1, vm1, $0x38;
	[tilespmem:$0x50A0] =	vst v63  }
0x48: {  	s18 =	sadd.s32 $0x40, s18;
	v1 =	vld.msk [tilespmem:s19+$0x0 ss:$0x1], $0xffff  }
0x49: {  	_ =	sdelay $0x3  }
0x4a: {  	v2 =	vand.u32 $0x1, v1;
	v3 =	vshll.u32 v1, $0x6  }
0x4b: {  	vm2 =	veq.s32 v1, $0x80000000;
	vm3 =	veq.s32 v2, $0x1;
	v1 =	vand.u32 $0x1FF80, v3  }
0x4c: {  	v2 =	vsel vm3, $0x1F400, v0;
	v1 =	vsel vm2, $0xFFFFFF80, v1  }
0x4d: {  	v2 =	vsel vm2, $0xFFFE0C00, v2;
	v3 =	vand.u32 $0xFFFFFC00, v1  }
0x4e: {  	v1 =	vand.u32 $0x380, v1;
	v2 =	vadd.s32 v2, v3  }
0x4f: {  	v1 =	vor.u32 v1, v2  }
0x50: {  	v1 =	vshrl.u32 v1, $0x3;
	_ =	sdelay $0x3  }
0x51: {  	s16 =	sadd.s32 $0x800, s17  }
0x52: {  	[tilespmem:s16], [sflag:$0x1] =	stream.indirect_vreg.gather [hbm:s4], $0x80, v1, vm0, $0x38;
	[tilespmem:$0x50A0] =	vst v63  }
0x53: {  	s16 =	sadd.s32 $0x400, s16  }
0x54: {  	[tilespmem:s16], [sflag:$0x1] =	stream.indirect_vreg.gather [hbm:s4], $0x80, v1, vm1, $0x38;
	[tilespmem:$0x50A0] =	vst v63  }
0x55: {  	s13 =	sshll.u32 s13, $0x4;
	_ =	swait.ge [sflag:s6], $0x2800  }
0x56: {  	s13 =	sadd.s32 s13, s9;
	[sflag:s6] =	ssyncset.done $0x0  }
0x57: {  	s17 =	sadd.s32 $0x0, s13;
	s16 =	simm.s32 $0x80;
	[sflag:s6] =	ssyncadd.s32 $0xFFFFD800  }
.LBB2_5:
0x58: {  	[hbm:s17] =	stream.linear.scatter [tilespmem:s14], [sflag:$0x3], $0x400, $0x38;
	[tilespmem:$0x50A0] =	vst v63  }
0x59: {  	s17 =	smov.u32 s16;
	s14 =	smov.u32 s15;
	p1 =	sne.s32 s16, $0x480  }
.Ltmp4:
0x5a: {  	s16 =	sadd.s32 $0x80, s16;
	(pc) =	sbr.rel @p1 .LBB2_5-.Ltmp4, $2  }
0x5b: {  	_ =	sdelay $0x2  }
0x5c: {  	s15 =	sadd.s32 $0x400, s15;
	s17 =	sadd.s32 s17, s13  }
.Ltmp5:
0x5d: {  	_ = 	snop;
	(pc) =	sbr.rel .LBB2_6-.Ltmp5, $1  }
0x5e: {  	_ =	sdelay $0x3  }
.LBB2_8:
0x5f: {  	_ =	sfence.sel $0x180000  }
0x60: {  	s2 =	simm.s32 $0x2;
	[bflag:$0x0] =	sbarrier.arrive $0xFFFF  }
0x61: {  	s30 =	simm.s32 $0x3;
	[sflag:s2] =	ssyncpa.u1 $0x1  }
0x62: {  	s31 =	simm.s32 $0x1;
	[sflag:s30] =	ssyncpa.u1 $0x1  }
0x63: {  	[sflag:s31] =	ssyncpa.u1 $0x1  }
0x64: {  	p0 =	sne.s32 s0, $0x0;
	_ =	strace $0x90000050  }
0x65: {  	s0 =	sadd.s32 @!p0 $0x100000, s1;
	[bflag:$0x2] =	sbarrier.arrive $0xFFFF  }
0x66: {  	[sflag:s0] =	ssyncadd.tile.s32 @!p0 $0x1;
	_ =	shalt  }
.Lfunc_end2:
_tile_overlayer_lowered:
.L_overlay_start_2:
0x67: {  	(tag) =	ssettag $0x2  }
0x68: {  	s0 =	rddreg [dreg:$0x0];
	s2 =	stileid.u32  }
0x69: {  	s1 =	rddreg [dreg:$0x1];
	p0 =	sne.s32 s2, $0x0  }
0x6a: {  	s3 =	rddreg [dreg:$0x2];
	[bflag:$0x3] =	sbarrier.arrive $0xFFFF;
	s2 =	simm.s32 @!p0 $0x1C01  }
0x6b: {  	[timem:s3], [sflag:s2] =	dma.local @!p0 [hbm:s0], s1  }
0x6c: {  	s0 =	simm.s32 @!p0 $0x1  }
0x6d: {  	_ =	swait.ge @!p0 [sflag:s0], s1  }
0x6e: {  	s1 =	ssub.s32 @!p0 $0x0, s1;
	[sflag:s0] =	ssyncset.done @!p0 $0x0  }
0x6f: {  	[sflag:s0] =	ssyncadd.s32 @!p0 s1  }
0x70: {  	[bflag:$0x3] =	sbarrier.arrive $0xFFFF  }
0x71: {  	_ =	shalt  }

// kernel: gather_offload_async_start
scs
__scs_entry_jumppad:
0x0: {  	(pc) =	sbr.rel $0x88, $3  }
0x1: {  	(tag) =	ssettag $0x0;
	lr =	simm.s32 $0x1  }
0x2: {  	[smem:$0x3F9C] =	sst lr;
	_ =	strace $0xD0000000  }
0x3: {  	_ = 	snop  }
0x4: {  	_ = 	snop  }
0x5: {  	_ = 	snop  }
0x6: {  	_ = 	snop  }
0x7: {  	_ = 	snop  }
__scs_overlays_trampoline_lowered:
0x8: {  	[smem:$0x3FAB] =	sst s0  }
0x9: {  	[smem:$0x3FAC] =	sst s1  }
0xa: {  	[smem:$0x3FAD] =	sst s2  }
0xb: {  	[smem:$0x3FAE] =	sst s3  }
0xc: {  	[smem:$0x3FAF] =	sst s4  }
0xd: {  	[smem:$0x3FB0] =	sst s5  }
0xe: {  	[smem:$0x3FB1] =	sst s6  }
0xf: {  	[smem:$0x3FB2] =	sst s7  }
0x10: {  	[smem:$0x3FB3] =	sst s8  }
0x11: {  	[smem:$0x3FB4] =	sst s9;
	s0 =	simm.s32 @!p0 $0x0  }
0x12: {  	s1 =	sld [smem:$0x3F9A];
	s0 =	simm.s32 @p0 $0x1  }
0x13: {  	[smem:$0x3FB5] =	sst s0;
	s0 =	simm.s32 @!p1 $0x0  }
0x14: {  	s2 =	sld [smem:$0x3F99];
	s0 =	simm.s32 @p1 $0x1  }
0x15: {  	[smem:$0x3FB6] =	sst s0;
	s0 =	simm.s32 @!p2 $0x0  }
0x16: {  	s3 =	sld [smem:$0x3FDB];
	s0 =	simm.s32 @p2 $0x1  }
0x17: {  	s4 =	simm.s32 $0x1BF5;
	[smem:$0x3FB8] =	sst s0  }
0x18: {  	s0 =	sld [smem:$0x3F9B];
	_ =	swait.ge [sflag:s4], $0x0  }
0x19: {  	s7 =	sld [smem:$0x3F9C]  }
0x1a: {  	s8 =	sadd.s32 $0xFFFFE003, lr  }
0x1b: {  	s9 =	sadd.s32 $0xFFFFFEF7, lr;
	s5 =	simm.s32 $0xFFFFFFFF;
	p2 =	slt.u32 s8, $0xFFFFF086  }
0x1c: {  	p1 =	slt.u32 s9, $0xF7A;
	s5 =	simm.s32 @!p2 $0x0  }
0x1d: {  	s5 =	simm.s32 @p1 $0x1;
	p0 =	seq.s32 s7, s2  }
0x1e: {  	s7 =	smul.u32 @!p0 $0xF7A, s2;
	p2 =	seq.s32 @!p0 s5, $0x0  }
0x1f: {  	s9 =	smul.u32 $0xF7A, s1;
	s8 =	simm.s32 @!p0 $0x1BF5;
	p2 =	por !p2, p0  }
0x20: {  	[sflag:s8] =	ssyncset.s32 @!p0 $0xFFFFF086;
	s6 =	sadd.s32 @!p0 s3, s7;
	s7 =	simm.s32 @!p0 $0x108  }
0x21: {  	s3 =	sadd.s32 s3, s9;
	s6 =	sadd.s32 @!p0 $0x88, s6;
	s7 =	simm.s32 @p2 $0x1082  }
0x22: {  	[simem:s7], [sflag:s8] =	dma.local @!p0 [hbm:s6], $0xF7A  }
0x23: {  	s9 =	sor.u32 $0xD0000000, s2;
	s6 =	simm.s32 $0x108;
	_ =	swait.ge @!p0 [sflag:s8], $0x0  }
0x24: {  	s3 =	sadd.s32 $0x88, s3;
	s6 =	simm.s32 @!p1 $0x1082;
	[sflag:s4] =	ssyncset.s32 $0xFFFFF086  }
0x25: {  	[simem:s6], [sflag:s4] =	dma.local [hbm:s3], $0xF7A  }
0x26: {  	[smem:$0x3F9C] =	sst s1;
	(tag) =	ssettag s2;
	_ =	strace s9  }
0x27: {  	s1 =	sld [smem:$0x3FAC]  }
0x28: {  	s2 =	sld [smem:$0x3FAD]  }
0x29: {  	s4 =	sld [smem:$0x3FAF]  }
0x2a: {  	p0 =	seq.s32 s5, $0x0;
	s5 =	sld [smem:$0x3FB0]  }
0x2b: {  	s6 =	sld [smem:$0x3FB1]  }
0x2c: {  	s7 =	sld [smem:$0x3FB2]  }
0x2d: {  	s3 =	simm.s32 $0x108;
	s8 =	sld [smem:$0x3FB3]  }
0x2e: {  	s3 =	simm.s32 @!p0 $0x1082;
	s9 =	sld [smem:$0x3FB4]  }
0x2f: {  	lr =	sadd.s32 s0, s3;
	s0 =	sld [smem:$0x3FAB]  }
0x30: {  	s3 =	sld [smem:$0x3FAE]  }
0x31: {  	[smem:$0x3FB7] =	sst s10  }
0x32: {  	s10 =	sld [smem:$0x3FB5];
	_ =	sdelay $0x3  }
0x33: {  	p0 =	seq.s32 s10, $0x1;
	s10 =	sld [smem:$0x3FB7];
	_ =	sdelay $0x3  }
0x34: {  	[smem:$0x3FB7] =	sst s10  }
0x35: {  	s10 =	sld [smem:$0x3FB6];
	_ =	sdelay $0x3  }
0x36: {  	p1 =	seq.s32 s10, $0x1;
	s10 =	sld [smem:$0x3FB7];
	_ =	sdelay $0x3  }
0x37: {  	[smem:$0x3FB7] =	sst s10  }
0x38: {  	s10 =	sld [smem:$0x3FB8]  }
0x39: {  	_ = 	snop;
	(pc) =	sbr.ind lr, $3  }
0x3a: {  	_ = 	snop  }
0x3b: {  	_ = 	snop  }
0x3c: {  	p2 =	seq.s32 s10, $0x1;
	s10 =	sld [smem:$0x3FB7]  }
0x3d: {  	_ =	shalt  }
0x3e: {  	_ =	shalt  }
0x3f: {  	_ =	shalt  }
0x40: {  	_ =	shalt  }
0x41: {  	_ =	shalt  }
0x42: {  	_ =	shalt  }
0x43: {  	_ =	shalt  }
0x44: {  	_ =	shalt  }
0x45: {  	_ =	shalt  }
0x46: {  	_ =	shalt  }
0x47: {  	_ =	shalt  }
0x48: {  	_ =	shalt  }
0x49: {  	_ =	shalt  }
0x4a: {  	_ =	shalt  }
0x4b: {  	_ =	shalt  }
0x4c: {  	_ =	shalt  }
0x4d: {  	_ =	shalt  }
0x4e: {  	_ =	shalt  }
0x4f: {  	_ =	shalt  }
0x50: {  	_ =	shalt  }
0x51: {  	_ =	shalt  }
0x52: {  	_ =	shalt  }
0x53: {  	_ =	shalt  }
0x54: {  	_ =	shalt  }
0x55: {  	_ =	shalt  }
0x56: {  	_ =	shalt  }
0x57: {  	_ =	shalt  }
0x58: {  	_ =	shalt  }
0x59: {  	_ =	shalt  }
0x5a: {  	_ =	shalt  }
0x5b: {  	_ =	shalt  }
0x5c: {  	_ =	shalt  }
0x5d: {  	_ =	shalt  }
0x5e: {  	_ =	shalt  }
0x5f: {  	_ =	shalt  }
0x60: {  	_ =	shalt  }
0x61: {  	_ =	shalt  }
0x62: {  	_ =	shalt  }
0x63: {  	_ =	shalt  }
0x64: {  	_ =	shalt  }
0x65: {  	_ =	shalt  }
0x66: {  	_ =	shalt  }
0x67: {  	_ =	shalt  }
0x68: {  	_ =	shalt  }
0x69: {  	_ =	shalt  }
0x6a: {  	_ =	shalt  }
0x6b: {  	_ =	shalt  }
0x6c: {  	_ =	shalt  }
0x6d: {  	_ =	shalt  }
0x6e: {  	_ =	shalt  }
0x6f: {  	_ =	shalt  }
0x70: {  	_ =	shalt  }
0x71: {  	_ =	shalt  }
0x72: {  	_ =	shalt  }
0x73: {  	_ =	shalt  }
0x74: {  	_ =	shalt  }
0x75: {  	_ =	shalt  }
0x76: {  	_ =	shalt  }
0x77: {  	_ =	shalt  }
0x78: {  	_ =	shalt  }
0x79: {  	_ =	shalt  }
0x7a: {  	_ =	shalt  }
0x7b: {  	_ =	shalt  }
0x7c: {  	_ =	shalt  }
0x7d: {  	_ =	shalt  }
0x7e: {  	_ =	shalt  }
0x7f: {  	_ =	shalt  }
0x80: {  	_ =	shalt  }
0x81: {  	_ =	shalt  }
0x82: {  	_ =	shalt  }
0x83: {  	_ =	shalt  }
0x84: {  	_ =	shalt  }
0x85: {  	_ =	shalt  }
0x86: {  	_ =	shalt  }
0x87: {  	_ =	shalt  }
.Lfunc_end0:
.L_simem_size_0:
called_computation_lowered:
.L_overlay_start_0:
0x88: {  	s0 =	sld [smem:$0x3FD9]  }
0x89: {  	s1 =	sld [smem:$0x3FFE];
	_ =	sdelay $0x3  }
0x8a: {  	s0 =	sadd.s32 s1, s0  }
0x8b: {  	[smem:$0x3FC3] =	sst s0  }
0x8c: {  	_ = 	snop  }
0x8d: {  	(tm) =	ssettm $0x1  }
0x8e: {  	s15 =	sld [smem:$0x3FFB];
	_ =	sdelay $0x3  }
0x8f: {  	_ =	strace s15  }
0x90: {  	s0 =	sld [smem:$0x3FFC];
	_ =	sdelay $0x3  }
0x91: {  	_ =	strace s0  }
0x92: {  	s0 =	sld [smem:$0x3FFD];
	_ =	sdelay $0x3  }
0x93: {  	_ =	strace s0  }
0x94: {  	_ =	strace $0x8FFFFFFF  }
0x95: {  	s16 =	sld [smem:$0x3FDB];
	_ =	sdelay $0x1  }
0x96: {  	s17 =	simm.s32 $_scs_section_size  }
0x97: {  	s2 =	simm.s32 $_size__tile_overlayer_lowered;
	s3 =	simm.s32 $_tile_overlayer_lowered  }
0x98: {  	s20 =	simm.s32 $0x1BFF;
	s19 =	sshll.u32 s3, $0x1;
	s0 =	sadd.s32 s17, s16  }
0x99: {  	s4 =	simm.s32 $0x0;
	s18 =	sshll.u32 s2, $0x1;
	s2 =	sadd.s32 s19, s0  }
0x9a: {  	[timem:s4], [sflag:s20] =	dma.local [hbm:s2], s18  }
0x9b: {  	_ =	swait.ge [sflag:s20], s18  }
0x9c: {  	s1 =	ssub.s32 $0x0, s18;
	[sflag:s20] =	ssyncset.done $0x0  }
0x9d: {  	[sflag:s20] =	ssyncadd.s32 s1;
	_ =	sdelay $0x1  }
0x9e: {  	s21 =	simm.s32 $0x1B8B  }
0x9f: {  	_ =	swait.ge [sflag:s21], $0x1  }
0xa0: {  	[sflag:s21] =	ssyncset.done $0x0  }
0xa1: {  	s23 =	simm.s32 $0x1B8E;
	s22 =	sld [smem:$0x3FFE];
	[sflag:s21] =	ssyncadd.s32 $0xFFFFFFFF  }
0xa2: {  	s24 =	simm.s32 $execute0_lowered;
	[smem:$0x3FD2] =	sst s23  }
0xa3: {  	s2 =	sshll.u32 s24, $0x1;
	_ =	strace $0x80000046;
	[dreg:$0x1] =	wrdreg $0xFFFFFFFF  }
0xa4: {  	s25 =	simm.s32 $_size_execute0_lowered;
	s0 =	sadd.s32 s0, s2;
	[dreg:$0x0] =	wrdreg $0x0  }
0xa5: {  	s2 =	sshll.u32 s25, $0x1;
	[dreg:$0x2] =	wrdreg s0  }
0xa6: {  	[dreg:$0x3] =	wrdreg s2  }
0xa7: {  	[dreg:$0x4] =	wrdreg $0xC0  }
0xa8: {  	_ =	task [dreg:s4], $0x5FFFF  }
0xa9: {  	[dreg:$0x1] =	wrdreg $0xFFFFFFFF  }
0xaa: {  	[dreg:$0x0] =	wrdreg $0x60  }
0xab: {  	[dreg:$0x2] =	wrdreg s22  }
0xac: {  	[dreg:$0x3] =	wrdreg $0x9  }
0xad: {  	_ =	task.clear_ibuf [dreg:s4], $0x4FFFF;
	_ =	strace $0x90000046  }
0xae: {  	s26 =	simm.s32 $0x9;
	_ =	strace $0x80000048  }
0xaf: {  	_ =	swait.ge [sflag:s26], $0x1  }
0xb0: {  	[sflag:s26] =	ssyncadd.s32 $0xFFFFFFFF  }
0xb1: {  	_ =	strace $0x90000048  }
0xb2: {  	_ =	sfence  }
0xb3: {  	s28 =	sld [smem:$0x0];
	_ =	sdelay $0x1  }
0xb4: {  	s29 =	srdreg.scid  }
0xb5: {  	s30 =	sshll.u32 s29, $0xD;
	s31 =	sshrl.u32 s29, $0x2  }
0xb6: {  	s1 =	sand.u32 $0x1, s29;
	s2 =	sand.u32 $0x4000, s30;
	s0 =	sadd.s32 s31, s28  }
0xb7: {  	s1 =	sor.u32 s2, s1;
	s0 =	sshll.u32 s0, $0x11  }
0xb8: {  	s0 =	sor.u32 s0, s1  }
0xb9: {  	s0 =	sadd.s32 $0x8F2B, s0  }
0xba: {  	[sflag:s0] =	ssyncadd.remote.s32 $0x1  }
0xbb: {  	_ =	sfence.sel $0xFFFF  }
0xbc: {  	[dreg:$0x0] =	wrdreg $0xFFFFFFFF;
	(pc) =	sbr.abs _section_cstart, $3  }
0xbd: {  	[dreg:$0x1] =	wrdreg $0xFFFFFFFF  }
0xbe: {  	_ =	task.clear_ibuf [dreg:s4], $0x2FFFF;
	_ =	strace $0x9FFFFFFF  }
0xbf: {  	(tm) =	ssettm $0x7FFFFFFF  }
tec
execute0_lowered:
.L_overlay_start_1:
0x0: {  	(tag) =	ssettag $0x1  }
0x1: {  	s0 =	stileid.u32  }
0x2: {  	s1 =	smin.u32 s0, $0x9  }
0x3: {  	s1 =	sadd.s32 s0, s1  }
0x4: {  	p0 =	slt.u32 s0, $0x9;
	s2 =	smul.u32 $0x50, s1;
	s1 =	simm.s32 $0xA0  }
0x5: {  	s1 =	simm.s32 @!p0 $0x50  }
0x6: {  	s1 =	sadd.s32 s1, s2  }
0x7: {  	s3 =	smin.u32 s1, $0x7D0  }
0x8: {  	s7 =	ssub.s32 s3, s2  }
0x9: {  	p0 =	sgt.s32 s7, $0x0  }
0xa: {  	s7 =	simm.s32 @!p0 $0x0  }
0xb: {  	s31 =	smul.u32 $0xCCCD, s7  }
0xc: {  	s4 =	rddreg [dreg:$0x0];
	s6 =	simm.s32 $0x1  }
0xd: {  	s10 =	simm.s32 $0x3;
	s13 =	simm.s32 $0x0;
	s8 =	sshrl.u32 s31, $0x16  }
0xe: {  	s12 =	simm.s32 $0x0;
	s5 =	sadd.s32 $0x200, s4;
	s9 =	smul.u32 $0x50, s8  }
.Ltmp0:
0xf: {  	s11 =	smov.u32 s2;
	s1 =	rddreg [dreg:$0x1];
	(pc) =	sbr.rel .LBB2_1-.Ltmp0, $4  }
0x10: {  	_ =	strace $0x80000047;
	p0 =	sne.s32 s7, s9;
	s9 =	simm.s32 $0x1  }
0x11: {  	[sflag:s6] =	ssyncpa.u1 $0x0;
	s7 =	simm.s32 $0x2;
	s9 =	simm.s32 @!p0 $0x0  }
0x12: {  	[sflag:s7] =	ssyncpa.u1 $0x0;
	p0 =	por $0x0, $0x0;
	s8 =	sadd.s32 s8, s9  }
0x13: {  	vm0 =	vmmov $0xff;
	vm1 =	vcmask $0x3F20;
	s9 =	sadd.s32 $0x40200, s4;
	[sflag:s10] =	ssyncpa.u1 $0x0;
	s10 =	sadd.s32 $0x1, s8  }
.LBB2_6:
0x14: {  	[hbm:s17] =	stream.linear.scatter [tilespmem:s14], [sflag:$0x3], $0x400, $0x38;
	[tilespmem:$0x50A0] =	vst v63  }
.LBB2_7:
0x15: {  	s13 =	sadd.s32 $0x50, s11  }
0x16: {  	s15 =	smov.u32 s2;
	p2 =	slt.s32 s13, s3  }
0x17: {  	s15 =	smov.u32 @p2 s13;
	p2 =	sne.s32 s12, s10  }
.Ltmp1:
0x18: {  	p1 =	slt.u32 s12, $0x2;
	(pc) =	sbr.rel @!p2 .LBB2_8-.Ltmp1, $4  }
0x19: {  	s14 =	simm.s32 @!p1 $0x3  }
0x1a: {  	s16 =	sadd.s32 $0x1, s12;
	_ =	swait.ge @!p1 [sflag:s14], $0x2800  }
0x1b: {  	p0 =	por !p0, !p0;
	s13 =	smov.u32 s11;
	[sflag:s14] =	ssyncset.done @!p1 $0x0  }
0x1c: {  	s12 =	smov.u32 s16;
	s11 =	smov.u32 s15;
	[sflag:s14] =	ssyncadd.s32 @!p1 $0xFFFFD800  }
.LBB2_1:
0x1d: {  	p1 =	sge.u32 s12, s8  }
0x1e: {  	s14 =	sxor.u32 @!p1 $0xFFFFFFFF, s12  }
0x1f: {  	s14 =	sand.u32 @!p1 $0x1, s14  }
0x20: {  	s14 =	smul.u32 @!p1 $0x140, s14  }
0x21: {  	s31 =	sadd.s32 $0xFFFFFFFF, s12;
	s15 =	sshrl.u32 @!p1 s11, $0x3  }
0x22: {  	s16 =	sand.u32 @!p1 $0x7, s11;
	s15 =	sadd.s32 @!p1 s4, s15;
	s14 =	sshrl.u32 @!p1 s14, $0x2  }
0x23: {  	[tilespmem:s14], [sflag:$0x2] =	stream.linear.gather @!p1 [hbm4b:s15+s16], $0x50, $0x38;
	[tilespmem:$0x50A0] =	vst v63  }
0x24: {  	p1 =	sge.u32 s31, s8  }
.Ltmp2:
0x25: {  	_ = 	snop;
	(pc) =	sbr.rel @p1 .LBB2_7-.Ltmp2, $1  }
0x26: {  	_ =	sdelay $0x3  }
0x27: {  	s14 =	simm.s32 $0x1  }
0x28: {  	s14 =	simm.s32 @!p0 $0x0  }
0x29: {  	s15 =	smul.u32 $0x140, s14  }
0x2a: {  	_ =	swait.ge [sflag:s7], $0x50  }
0x2b: {  	[sflag:s7] =	ssyncset.done $0x0;
	s16 =	sshrl.u32 s15, $0x2  }
0x2c: {  	[sflag:s7] =	ssyncadd.s32 $0xFFFFFFB0;
	s15 =	sadd.s32 $0x0, s16  }
0x2d: {  	v0 =	vld.msk [tilespmem:s15+$0x0 ss:$0x1], $0xffff;
	_ =	sdelay $0x4  }
0x2e: {  	vm2 =	vgt.s32 v0, $0x0  }
0x2f: {  	v0 =	vnsel vm2, $0x0, v0  }
0x30: {  	v0 =	vmin.u32 v0, $0x3FFF  }
0x31: {  	v0 =	vshll.u32 v0, $0x4  }
0x32: {  	s14 =	smul.u32 $0xA000, s14;
	_ =	sdelay $0x1  }
0x33: {  	s14 =	sshrl.u32 s14, $0x2  }
0x34: {  	s14 =	sor.u32 $0xA0, s14  }
0x35: {  	[tilespmem:s14], [sflag:$0x1] =	stream.indirect_vreg.gather [hbm:s5], $0x80, v0, vm0, $0x38;
	[tilespmem:$0x50A0] =	vst v63  }
0x36: {  	s17 =	sadd.s32 $0x10, s16;
	s15 =	sadd.s32 $0x400, s14  }
0x37: {  	[tilespmem:s15], [sflag:$0x1] =	stream.indirect_vreg.gather [hbm:s5], $0x80, v0, vm1, $0x38;
	[tilespmem:$0x50A0] =	vst v63  }
0x38: {  	s18 =	simm.s32 $0x80;
	v0 =	vld.msk [tilespmem:s17+$0x0 ss:$0x1], $0xffff;
	s17 =	smov.u32 s14  }
.LBB2_3:
0x39: {  	p1 =	sne.s32 s18, $0x100;
	_ =	sdelay $0x4  }
0x3a: {  	vm2 =	vgt.s32 v0, $0x0  }
0x3b: {  	v0 =	vnsel vm2, $0x0, v0  }
0x3c: {  	v0 =	vmin.u32 v0, $0x3FFF  }
0x3d: {  	v0 =	vshll.u32 v0, $0x4;
	_ =	sdelay $0x3  }
.Ltmp3:
0x3e: {  	s19 =	sshra.s32 s18, $0x2;
	s17 =	sadd.s32 $0x800, s17;
	(pc) =	sbr.rel @p1 .LBB2_3-.Ltmp3, $4  }
0x3f: {  	[tilespmem:s17], [sflag:$0x1] =	stream.indirect_vreg.gather [hbm:s5], $0x80, v0, vm0, $0x38;
	[tilespmem:$0x50A0] =	vst v63  }
0x40: {  	s19 =	sadd.s32 s19, s16;
	s20 =	sadd.s32 $0x400, s17  }
0x41: {  	[tilespmem:s20], [sflag:$0x1] =	stream.indirect_vreg.gather [hbm:s5], $0x80, v0, vm1, $0x38;
	[tilespmem:$0x50A0] =	vst v63  }
0x42: {  	s18 =	sadd.s32 $0x40, s18;
	v0 =	vld.msk [tilespmem:s19+$0x0 ss:$0x1], $0xffff  }
0x43: {  	_ =	sdelay $0x3  }
0x44: {  	vm2 =	vgt.s32 v0, $0x0  }
0x45: {  	v0 =	vnsel vm2, $0x0, v0  }
0x46: {  	v0 =	vmin.u32 v0, $0x3FFF  }
0x47: {  	v0 =	vshll.u32 v0, $0x4;
	_ =	sdelay $0x3  }
0x48: {  	s16 =	sadd.s32 $0x800, s17  }
0x49: {  	[tilespmem:s16], [sflag:$0x1] =	stream.indirect_vreg.gather [hbm:s5], $0x80, v0, vm0, $0x38;
	[tilespmem:$0x50A0] =	vst v63  }
0x4a: {  	s16 =	sadd.s32 $0x400, s16  }
0x4b: {  	[tilespmem:s16], [sflag:$0x1] =	stream.indirect_vreg.gather [hbm:s5], $0x80, v0, vm1, $0x38;
	[tilespmem:$0x50A0] =	vst v63  }
0x4c: {  	s13 =	sshll.u32 s13, $0x4;
	_ =	swait.ge [sflag:s6], $0x2800  }
0x4d: {  	s13 =	sadd.s32 s13, s9;
	[sflag:s6] =	ssyncset.done $0x0  }
0x4e: {  	s17 =	sadd.s32 $0x0, s13;
	s16 =	simm.s32 $0x80;
	[sflag:s6] =	ssyncadd.s32 $0xFFFFD800  }
.LBB2_5:
0x4f: {  	[hbm:s17] =	stream.linear.scatter [tilespmem:s14], [sflag:$0x3], $0x400, $0x38;
	[tilespmem:$0x50A0] =	vst v63  }
0x50: {  	s17 =	smov.u32 s16;
	s14 =	smov.u32 s15;
	p1 =	sne.s32 s16, $0x480  }
.Ltmp4:
0x51: {  	s16 =	sadd.s32 $0x80, s16;
	(pc) =	sbr.rel @p1 .LBB2_5-.Ltmp4, $2  }
0x52: {  	_ =	sdelay $0x2  }
0x53: {  	s15 =	sadd.s32 $0x400, s15;
	s17 =	sadd.s32 s17, s13  }
.Ltmp5:
0x54: {  	_ = 	snop;
	(pc) =	sbr.rel .LBB2_6-.Ltmp5, $1  }
0x55: {  	_ =	sdelay $0x3  }
.LBB2_8:
0x56: {  	_ =	sfence.sel $0x180000  }
0x57: {  	s2 =	simm.s32 $0x2;
	[bflag:$0x0] =	sbarrier.arrive $0xFFFF  }
0x58: {  	s30 =	simm.s32 $0x3;
	[sflag:s2] =	ssyncpa.u1 $0x1  }
0x59: {  	s31 =	simm.s32 $0x1;
	[sflag:s30] =	ssyncpa.u1 $0x1  }
0x5a: {  	[sflag:s31] =	ssyncpa.u1 $0x1  }
0x5b: {  	p0 =	sne.s32 s0, $0x0;
	_ =	strace $0x90000047  }
0x5c: {  	s0 =	sadd.s32 @!p0 $0x100000, s1;
	[bflag:$0x2] =	sbarrier.arrive $0xFFFF  }
0x5d: {  	[sflag:s0] =	ssyncadd.tile.s32 @!p0 $0x1;
	_ =	shalt  }
.Lfunc_end2:
_tile_overlayer_lowered:
.L_overlay_start_2:
0x5e: {  	(tag) =	ssettag $0x2  }
0x5f: {  	s0 =	rddreg [dreg:$0x0];
	s2 =	stileid.u32  }
0x60: {  	s1 =	rddreg [dreg:$0x1];
	p0 =	sne.s32 s2, $0x0  }
0x61: {  	s3 =	rddreg [dreg:$0x2];
	[bflag:$0x3] =	sbarrier.arrive $0xFFFF;
	s2 =	simm.s32 @!p0 $0x1C01  }
0x62: {  	[timem:s3], [sflag:s2] =	dma.local @!p0 [hbm:s0], s1  }
0x63: {  	s0 =	simm.s32 @!p0 $0x1  }
0x64: {  	_ =	swait.ge @!p0 [sflag:s0], s1  }
0x65: {  	s1 =	ssub.s32 @!p0 $0x0, s1;
	[sflag:s0] =	ssyncset.done @!p0 $0x0  }
0x66: {  	[sflag:s0] =	ssyncadd.s32 @!p0 s1  }
0x67: {  	[bflag:$0x3] =	sbarrier.arrive $0xFFFF  }
0x68: {  	_ =	shalt  }

</sc_bundles>
